<compile_context>
chip_gen: v7x
topology: tpu7x:2x2x1
jax: 0.10.2.dev20260603
libtpu: 0.0.44.dev20260713+nightly
codegen_flags: <defaults>
</compile_context>

<pallas_src>
import functools

import jax
import jax.numpy as jnp
from jax import lax
from jax.experimental import pallas as pl
from jax.experimental.pallas import tpu as pltpu
from jax.experimental.pallas import tpu_sc as plsc

N = 10000
NPAD = 10240
IN_DIM = 128
EMB = 64
E_RAW = 320000
E_TOT = E_RAW + N
E_PAD = 330240
CHUNK = 688
GRP = CHUNK // 16
P1_PER_TILE = E_PAD // 16
P1_CHUNKS = P1_PER_TILE // CHUNK
P2_PER_TILE = E_PAD // 32
P2_CHUNKS = P2_PER_TILE // CHUNK
SLICE = NPAD // 16
BR = 1024


def _tc1_body(x_ref, wd_ref, bd_ref, wg_ref, asv_ref, adv_ref,
              hp_ref, as_ref, ad_ref, c_ref):
    h = lax.dot_general(x_ref[...], wd_ref[...], (((1,), (1,)), ((), ())),
                        preferred_element_type=jnp.float32)
    h = jnp.maximum(h + bd_ref[...], 0.0)
    hp = lax.dot_general(h, wg_ref[...], (((1,), (1,)), ((), ())),
                         preferred_element_type=jnp.float32)
    hp_ref[...] = hp
    a_s = jnp.sum(hp * asv_ref[...], axis=1)
    a_d = jnp.sum(hp * adv_ref[...], axis=1)
    as_ref[...] = a_s[None, :]
    ad_ref[...] = a_d[None, :]
    m = jnp.max(a_s) + jnp.max(a_d)
    c = jnp.where(m >= 0.0, m, 0.2 * m)
    c_ref[...] = jnp.full((1, 16), c, jnp.float32)


def _sc_body(src_h, dst_h, as_h, ad_h, hp_h, c_h, z1_h, z2_h, out_h,
             asrc_v, adst_v, denom_v, rows_v, sidx_v, didx_v, pbuf_v, cv_v,
             denom_s, embed_s, sem):
    cid = lax.axis_index("c")
    sid = lax.axis_index("s")
    wid = cid * 16 + sid

    pltpu.sync_copy(as_h.at[0], asrc_v.at[pl.ds(0, N)])
    pltpu.sync_copy(ad_h.at[0], adst_v.at[pl.ds(0, N)])
    pltpu.sync_copy(c_h.at[0], cv_v)
    adst_v[pl.ds(N, 16)] = jnp.zeros((16,), jnp.float32)
    pltpu.sync_copy(z1_h, denom_s.at[pl.ds(sid * SLICE, SLICE)])
    pltpu.sync_copy(z2_h, embed_s.at[pl.ds(sid * SLICE, SLICE)])
    plsc.subcore_barrier()

    cvec = cv_v[...]

    def p1_chunk(i, carry):
        off = sid * P1_PER_TILE + i * CHUNK
        pltpu.sync_copy(src_h.at[pl.ds(off, CHUNK)], sidx_v)
        pltpu.sync_copy(dst_h.at[pl.ds(off, CHUNK)], didx_v)

        def grp(g, c2):
            si = sidx_v[pl.ds(g * 16, 16)]
            di = didx_v[pl.ds(g * 16, 16)]
            e = plsc.load_gather(asrc_v, [si]) + plsc.load_gather(adst_v, [di])
            e = jnp.where(e >= 0.0, e, 0.2 * e)
            pbuf_v[pl.ds(g * 16, 16)] = jnp.exp(e - cvec)
            return c2

        lax.fori_loop(0, GRP, grp, 0)
        pltpu.sync_copy(pbuf_v, denom_s.at[didx_v], add=True)
        return carry

    lax.fori_loop(0, P1_CHUNKS, p1_chunk, 0)
    plsc.subcore_barrier()
    pltpu.sync_copy(denom_s, denom_v)

    iotas = [lax.iota(jnp.int32, 16) + (16 * c) for c in range(4)]

    def p2_chunk(i, carry):
        off = wid * P2_PER_TILE + i * CHUNK
        pltpu.sync_copy(src_h.at[pl.ds(off, CHUNK)], sidx_v)
        pltpu.sync_copy(dst_h.at[pl.ds(off, CHUNK)], didx_v)
        pltpu.async_copy(hp_h.at[sidx_v], rows_v, sem).wait()

        def grp(g, c2):
            si = sidx_v[pl.ds(g * 16, 16)]
            di = didx_v[pl.ds(g * 16, 16)]
            e = plsc.load_gather(asrc_v, [si]) + plsc.load_gather(adst_v, [di])
            e = jnp.where(e >= 0.0, e, 0.2 * e)
            p = jnp.exp(e - cvec)
            dn = plsc.load_gather(denom_v, [di])
            pbuf_v[pl.ds(g * 16, 16)] = p / (dn + 1e-16)
            return c2

        lax.fori_loop(0, GRP, grp, 0)

        def scale(e_i, c2):
            ridx = jnp.zeros((16,), jnp.int32) + e_i
            al = plsc.load_gather(pbuf_v, [ridx])
            for cb in range(4):
                v = plsc.load_gather(rows_v, [ridx, iotas[cb]])
                plsc.store_scatter(rows_v, [ridx, iotas[cb]], v * al)
            return c2

        lax.fori_loop(0, CHUNK, scale, 0)
        pltpu.sync_copy(rows_v, embed_s.at[didx_v], add=True)
        return carry

    lax.fori_loop(0, P2_CHUNKS, p2_chunk, 0)
    plsc.subcore_barrier()
    pltpu.sync_copy(embed_s.at[pl.ds(sid * SLICE, SLICE)],
                    out_h.at[cid, pl.ds(sid * SLICE, SLICE)])


def _tc2_body(pr0, pr1, pc0, pc1, bg, out_ref, emb_ref):
    er = pr0[...] + pr1[...] + bg[...]
    ec = pc0[...] + pc1[...] + bg[...]
    logits = lax.dot_general(er, ec, (((1,), (1,)), ((), ())),
                             preferred_element_type=jnp.float32)
    out_ref[...] = jax.nn.sigmoid(logits)

    @pl.when(pl.program_id(1) == 0)
    def _():
        emb_ref[...] = er


def kernel(x, adj, W_dense, b_dense, W_gat, att_src, att_dst, b_gat):
    f32 = jnp.float32
    loop = jnp.arange(N, dtype=adj.dtype)
    pad = E_PAD - E_TOT
    src = jnp.concatenate([adj[0].astype(jnp.int32), loop.astype(jnp.int32),
                           jnp.zeros((pad,), jnp.int32)])
    dst = jnp.concatenate([adj[1].astype(jnp.int32), loop.astype(jnp.int32),
                           jnp.full((pad,), N, jnp.int32)])

    hp, a_s, a_d, c_c = pl.pallas_call(
        _tc1_body,
        out_shape=[
            jax.ShapeDtypeStruct((N, EMB), f32),
            jax.ShapeDtypeStruct((1, N), f32),
            jax.ShapeDtypeStruct((1, N), f32),
            jax.ShapeDtypeStruct((1, 16), f32),
        ],
    )(x, W_dense, b_dense.reshape(1, EMB), W_gat,
      att_src.reshape(1, EMB), att_dst.reshape(1, EMB))

    mesh = plsc.VectorSubcoreMesh(core_axis_name="c", subcore_axis_name="s",
                                  num_cores=2, num_subcores=16)
    sc_fn = pl.kernel(
        _sc_body,
        out_type=jax.ShapeDtypeStruct((2, NPAD, EMB), f32),
        mesh=mesh,
        compiler_params=pltpu.CompilerParams(needs_layout_passes=False,
                                             use_tc_tiling_on_sc=False),
        scratch_types=[
            pltpu.VMEM((NPAD,), f32),
            pltpu.VMEM((NPAD,), f32),
            pltpu.VMEM((NPAD,), f32),
            pltpu.VMEM((CHUNK, EMB), f32),
            pltpu.VMEM((CHUNK,), jnp.int32),
            pltpu.VMEM((CHUNK,), jnp.int32),
            pltpu.VMEM((CHUNK,), f32),
            pltpu.VMEM((16,), f32),
            pltpu.VMEM_SHARED((NPAD,), f32),
            pltpu.VMEM_SHARED((NPAD, EMB), f32),
            pltpu.SemaphoreType.DMA,
        ],
    )
    z1 = jnp.zeros((SLICE,), f32)
    z2 = jnp.zeros((SLICE, EMB), f32)
    partials = sc_fn(src, dst, a_s, a_d, hp, c_c, z1, z2)

    out, embed = pl.pallas_call(
        _tc2_body,
        grid=(NPAD // BR, NPAD // BR),
        in_specs=[
            pl.BlockSpec((BR, EMB), lambda i, j: (i, 0)),
            pl.BlockSpec((BR, EMB), lambda i, j: (i, 0)),
            pl.BlockSpec((BR, EMB), lambda i, j: (j, 0)),
            pl.BlockSpec((BR, EMB), lambda i, j: (j, 0)),
            pl.BlockSpec((1, EMB), lambda i, j: (0, 0)),
        ],
        out_specs=[
            pl.BlockSpec((BR, BR), lambda i, j: (i, j)),
            pl.BlockSpec((BR, EMB), lambda i, j: (i, 0)),
        ],
        out_shape=[
            jax.ShapeDtypeStruct((N, N), f32),
            jax.ShapeDtypeStruct((N, EMB), f32),
        ],
    )(partials[0], partials[1], partials[0], partials[1], b_gat.reshape(1, EMB))
    return (out, embed)

# --- scband reference (transcript-rebuilt; emitter-appended) ---
"""Pipeline reference for scband-structure-ae-11828339933654 (READ-ONLY COPY).

The authoritative reference and input builder live on the scoring server;
editing this copy changes nothing except your own understanding.
"""

import jax, jax.numpy as jnp
import numpy as np

N_NODES = 10000
IN_DIM = 128
EMBED_DIM = 64
HID_DIM = 64
N_EDGES = 320000


def setup_inputs(seed: int = 0) -> dict:
    key = jax.random.key(seed)
    ks = jax.random.split(key, 8)
    x = jax.random.normal(ks[0], (N_NODES, IN_DIM), dtype=jnp.float32)
    adj = jax.random.randint(ks[1], (2, N_EDGES), 0, N_NODES, dtype=jnp.int64)
    # dense: Linear(in_dim, embed_dim)
    W_dense = jax.random.normal(ks[2], (EMBED_DIM, IN_DIM), dtype=jnp.float32) * (1.0 / np.sqrt(IN_DIM))
    b_dense = jnp.zeros((EMBED_DIM,), dtype=jnp.float32)
    # GATConv(embed_dim, hid_dim), heads=1: lin (no bias), att_src, att_dst, bias
    W_gat = jax.random.normal(ks[3], (HID_DIM, EMBED_DIM), dtype=jnp.float32) * (1.0 / np.sqrt(EMBED_DIM))
    att_src = jax.random.normal(ks[4], (HID_DIM,), dtype=jnp.float32) * (1.0 / np.sqrt(HID_DIM))
    att_dst = jax.random.normal(ks[5], (HID_DIM,), dtype=jnp.float32) * (1.0 / np.sqrt(HID_DIM))
    b_gat = jnp.zeros((HID_DIM,), dtype=jnp.float32)
    return {"x": x, "adj": adj, "W_dense": W_dense, "b_dense": b_dense,
            "W_gat": W_gat, "att_src": att_src, "att_dst": att_dst, "b_gat": b_gat}


def reference(x, adj, W_dense, b_dense, W_gat, att_src, att_dst, b_gat):
    N = x.shape[0]
    # dense + relu
    h = jax.nn.relu(x @ W_dense.T + b_dense)
    # GATConv (heads=1, concat=True, add_self_loops=True, negative_slope=0.2)
    loop = jnp.arange(N, dtype=adj.dtype)
    src = jnp.concatenate([adj[0], loop])
    dst = jnp.concatenate([adj[1], loop])
    hp = h @ W_gat.T  # [N, HID]
    a_src = (hp * att_src).sum(-1)  # [N]
    a_dst = (hp * att_dst).sum(-1)  # [N]
    e = jax.nn.leaky_relu(a_src[src] + a_dst[dst], negative_slope=0.2)  # [E+N]
    amax = jax.ops.segment_max(e, dst, num_segments=N)
    e = jnp.exp(e - jax.lax.stop_gradient(amax)[dst])
    denom = jax.ops.segment_sum(e, dst, num_segments=N)
    alpha = e / (denom[dst] + 1e-16)
    msg = hp[src] * alpha[:, None]
    embed_x = jax.ops.segment_sum(msg, dst, num_segments=N) + b_gat
    out = jax.nn.sigmoid(embed_x @ embed_x.T)
    return (out, embed_x)

if __name__ == "__main__":
    import jax
    _d = setup_inputs()
    print(jax.jit(kernel)(*tuple(_d.values())))

</pallas_src>

<mosaic_0001>
#map = affine_map<(d0, d1) -> (0)>
#map1 = affine_map<(d0, d1) -> (0, 0)>
#map2 = affine_map<(d0, d1) -> (0, 0, 0)>
module attributes {stable_mosaic.version = 14 : i64} {
  func.func @_sc_body(%arg0: i32, %arg1: i32, %arg2: memref<330240xi32, #tpu.memory_space<hbm>>, %arg3: memref<330240xi32, #tpu.memory_space<hbm>>, %arg4: memref<1x10000xf32, #tpu.memory_space<hbm>>, %arg5: memref<1x10000xf32, #tpu.memory_space<hbm>>, %arg6: memref<10000x64xf32, #tpu.memory_space<hbm>>, %arg7: memref<1x16xf32, #tpu.memory_space<hbm>>, %arg8: memref<640xf32, #tpu.memory_space<hbm>>, %arg9: memref<640x64xf32, #tpu.memory_space<hbm>>, %arg10: memref<2x10240x64xf32, #tpu.memory_space<hbm>>, %arg11: memref<10240xf32, #tpu.memory_space<vmem>>, %arg12: memref<10240xf32, #tpu.memory_space<vmem>>, %arg13: memref<10240xf32, #tpu.memory_space<vmem>>, %arg14: memref<688x64xf32, #tpu.memory_space<vmem>>, %arg15: memref<688xi32, #tpu.memory_space<vmem>>, %arg16: memref<688xi32, #tpu.memory_space<vmem>>, %arg17: memref<688xf32, #tpu.memory_space<vmem>>, %arg18: memref<16xf32, #tpu.memory_space<vmem>>, %arg19: memref<10240xf32, #tpu.memory_space<vmem_shared>>, %arg20: memref<10240x64xf32, #tpu.memory_space<vmem_shared>>, %arg21: memref<!tpu.dma_semaphore, #tpu.memory_space<semaphore_mem>>) attributes {dimension_semantics = [#tpu.dimension_semantics<core_parallel>, #tpu.dimension_semantics<subcore_parallel>], iteration_bounds = array<i64: 2, 16>, scalar_prefetch = 0 : i64, scratch_operands = 11 : i64, tpu.core_type = #tpu.core_type<sc_vector_subcore>, window_params = [{transform_indices = #map}, {transform_indices = #map}, {transform_indices = #map1}, {transform_indices = #map1}, {transform_indices = #map1}, {transform_indices = #map1}, {transform_indices = #map}, {transform_indices = #map1}, {transform_indices = #map2}]} {
    %mul3A = arith.constant 16 : i32
    %mul3A_0 = arith.muli %arg0, %mul3A : i32
    %add3A = arith.addi %mul3A_0, %arg1 : i32
    %run_scoped3A = arith.constant 0 : i32
    "tpu.region"() ({
      %run_scoped3A_42 = tpu.sem_alloc : memref<!tpu.dma_semaphore, #tpu.memory_space<semaphore_mem>>
      %dma_start3A = arith.constant 0 : i32
      %dma_start3A_43 = tpu.memref_slice %arg11[%dma_start3A] : memref<10240xf32, #tpu.memory_space<vmem>> -> memref<10000xf32, #tpu.memory_space<vmem>>
      %dma_start3A_44 = arith.constant 0 : i32
      %dma_start3A_45 = tpu.memref_slice %arg4[%run_scoped3A, %dma_start3A_44] : memref<1x10000xf32, #tpu.memory_space<hbm>> -> memref<1x10000xf32, #tpu.memory_space<hbm>>
      %dma_start3A_46 = tpu.memref_squeeze %dma_start3A_45 : memref<1x10000xf32, #tpu.memory_space<hbm>> -> memref<10000xf32, #tpu.memory_space<hbm>>
      %dma_start3A_47 = arith.constant 0 : i32
      %dma_start3A_48 = tpu.memref_slice %arg11[%dma_start3A_47] : memref<10240xf32, #tpu.memory_space<vmem>> -> memref<10000xf32, #tpu.memory_space<vmem>>
      %dma_start3A_49 = arith.constant 0 : i32
      %dma_start3A_50 = tpu.memref_slice %arg4[%run_scoped3A, %dma_start3A_49] : memref<1x10000xf32, #tpu.memory_space<hbm>> -> memref<1x10000xf32, #tpu.memory_space<hbm>>
      %dma_start3A_51 = tpu.memref_squeeze %dma_start3A_50 : memref<1x10000xf32, #tpu.memory_space<hbm>> -> memref<10000xf32, #tpu.memory_space<hbm>>
      tpu.enqueue_dma source(%dma_start3A_51 : memref<10000xf32, #tpu.memory_space<hbm>>) target(%dma_start3A_48 : memref<10000xf32, #tpu.memory_space<vmem>>) target_semaphore(%run_scoped3A_42 : memref<!tpu.dma_semaphore, #tpu.memory_space<semaphore_mem>>)
      %dma_wait3A = arith.constant 0 : i32
      %dma_wait3A_52 = tpu.memref_slice %arg11[%dma_wait3A] : memref<10240xf32, #tpu.memory_space<vmem>> -> memref<10000xf32, #tpu.memory_space<vmem>>
      %dma_wait3A_53 = arith.constant 0 : i32
      %dma_wait3A_54 = tpu.memref_slice %arg4[%run_scoped3A, %dma_wait3A_53] : memref<1x10000xf32, #tpu.memory_space<hbm>> -> memref<1x10000xf32, #tpu.memory_space<hbm>>
      %dma_wait3A_55 = tpu.memref_squeeze %dma_wait3A_54 : memref<1x10000xf32, #tpu.memory_space<hbm>> -> memref<10000xf32, #tpu.memory_space<hbm>>
      %dma_wait3A_56 = arith.constant 0 : i32
      %dma_wait3A_57 = tpu.memref_slice %arg11[%dma_wait3A_56] : memref<10240xf32, #tpu.memory_space<vmem>> -> memref<10000xf32, #tpu.memory_space<vmem>>
      %dma_wait3A_58 = arith.constant 0 : i32
      %dma_wait3A_59 = tpu.memref_slice %arg4[%run_scoped3A, %dma_wait3A_58] : memref<1x10000xf32, #tpu.memory_space<hbm>> -> memref<1x10000xf32, #tpu.memory_space<hbm>>
      %dma_wait3A_60 = tpu.memref_squeeze %dma_wait3A_59 : memref<1x10000xf32, #tpu.memory_space<hbm>> -> memref<10000xf32, #tpu.memory_space<hbm>>
      tpu.wait_dma2 semaphore(%run_scoped3A_42 : memref<!tpu.dma_semaphore, #tpu.memory_space<semaphore_mem>>) src(%dma_wait3A_60 : memref<10000xf32, #tpu.memory_space<hbm>>) dst(%dma_wait3A_57 : memref<10000xf32, #tpu.memory_space<vmem>>)
      tpu.yield
    }) : () -> ()
    %run_scoped3A_1 = arith.constant 0 : i32
    "tpu.region"() ({
      %run_scoped3A_42 = tpu.sem_alloc : memref<!tpu.dma_semaphore, #tpu.memory_space<semaphore_mem>>
      %dma_start3A = arith.constant 0 : i32
      %dma_start3A_43 = tpu.memref_slice %arg12[%dma_start3A] : memref<10240xf32, #tpu.memory_space<vmem>> -> memref<10000xf32, #tpu.memory_space<vmem>>
      %dma_start3A_44 = arith.constant 0 : i32
      %dma_start3A_45 = tpu.memref_slice %arg5[%run_scoped3A_1, %dma_start3A_44] : memref<1x10000xf32, #tpu.memory_space<hbm>> -> memref<1x10000xf32, #tpu.memory_space<hbm>>
      %dma_start3A_46 = tpu.memref_squeeze %dma_start3A_45 : memref<1x10000xf32, #tpu.memory_space<hbm>> -> memref<10000xf32, #tpu.memory_space<hbm>>
      %dma_start3A_47 = arith.constant 0 : i32
      %dma_start3A_48 = tpu.memref_slice %arg12[%dma_start3A_47] : memref<10240xf32, #tpu.memory_space<vmem>> -> memref<10000xf32, #tpu.memory_space<vmem>>
      %dma_start3A_49 = arith.constant 0 : i32
      %dma_start3A_50 = tpu.memref_slice %arg5[%run_scoped3A_1, %dma_start3A_49] : memref<1x10000xf32, #tpu.memory_space<hbm>> -> memref<1x10000xf32, #tpu.memory_space<hbm>>
      %dma_start3A_51 = tpu.memref_squeeze %dma_start3A_50 : memref<1x10000xf32, #tpu.memory_space<hbm>> -> memref<10000xf32, #tpu.memory_space<hbm>>
      tpu.enqueue_dma source(%dma_start3A_51 : memref<10000xf32, #tpu.memory_space<hbm>>) target(%dma_start3A_48 : memref<10000xf32, #tpu.memory_space<vmem>>) target_semaphore(%run_scoped3A_42 : memref<!tpu.dma_semaphore, #tpu.memory_space<semaphore_mem>>)
      %dma_wait3A = arith.constant 0 : i32
      %dma_wait3A_52 = tpu.memref_slice %arg12[%dma_wait3A] : memref<10240xf32, #tpu.memory_space<vmem>> -> memref<10000xf32, #tpu.memory_space<vmem>>
      %dma_wait3A_53 = arith.constant 0 : i32
      %dma_wait3A_54 = tpu.memref_slice %arg5[%run_scoped3A_1, %dma_wait3A_53] : memref<1x10000xf32, #tpu.memory_space<hbm>> -> memref<1x10000xf32, #tpu.memory_space<hbm>>
      %dma_wait3A_55 = tpu.memref_squeeze %dma_wait3A_54 : memref<1x10000xf32, #tpu.memory_space<hbm>> -> memref<10000xf32, #tpu.memory_space<hbm>>
      %dma_wait3A_56 = arith.constant 0 : i32
      %dma_wait3A_57 = tpu.memref_slice %arg12[%dma_wait3A_56] : memref<10240xf32, #tpu.memory_space<vmem>> -> memref<10000xf32, #tpu.memory_space<vmem>>
      %dma_wait3A_58 = arith.constant 0 : i32
      %dma_wait3A_59 = tpu.memref_slice %arg5[%run_scoped3A_1, %dma_wait3A_58] : memref<1x10000xf32, #tpu.memory_space<hbm>> -> memref<1x10000xf32, #tpu.memory_space<hbm>>
      %dma_wait3A_60 = tpu.memref_squeeze %dma_wait3A_59 : memref<1x10000xf32, #tpu.memory_space<hbm>> -> memref<10000xf32, #tpu.memory_space<hbm>>
      tpu.wait_dma2 semaphore(%run_scoped3A_42 : memref<!tpu.dma_semaphore, #tpu.memory_space<semaphore_mem>>) src(%dma_wait3A_60 : memref<10000xf32, #tpu.memory_space<hbm>>) dst(%dma_wait3A_57 : memref<10000xf32, #tpu.memory_space<vmem>>)
      tpu.yield
    }) : () -> ()
    %run_scoped3A_2 = arith.constant 0 : i32
    "tpu.region"() ({
      %run_scoped3A_42 = tpu.sem_alloc : memref<!tpu.dma_semaphore, #tpu.memory_space<semaphore_mem>>
      %dma_start3A = arith.constant 0 : i32
      %dma_start3A_43 = tpu.memref_slice %arg7[%run_scoped3A_2, %dma_start3A] : memref<1x16xf32, #tpu.memory_space<hbm>> -> memref<1x16xf32, #tpu.memory_space<hbm>>
      %dma_start3A_44 = tpu.memref_squeeze %dma_start3A_43 : memref<1x16xf32, #tpu.memory_space<hbm>> -> memref<16xf32, #tpu.memory_space<hbm>>
      %dma_start3A_45 = arith.constant 0 : i32
      %dma_start3A_46 = tpu.memref_slice %arg7[%run_scoped3A_2, %dma_start3A_45] : memref<1x16xf32, #tpu.memory_space<hbm>> -> memref<1x16xf32, #tpu.memory_space<hbm>>
      %dma_start3A_47 = tpu.memref_squeeze %dma_start3A_46 : memref<1x16xf32, #tpu.memory_space<hbm>> -> memref<16xf32, #tpu.memory_space<hbm>>
      tpu.enqueue_dma source(%dma_start3A_47 : memref<16xf32, #tpu.memory_space<hbm>>) target(%arg18 : memref<16xf32, #tpu.memory_space<vmem>>) target_semaphore(%run_scoped3A_42 : memref<!tpu.dma_semaphore, #tpu.memory_space<semaphore_mem>>)
      %dma_wait3A = arith.constant 0 : i32
      %dma_wait3A_48 = tpu.memref_slice %arg7[%run_scoped3A_2, %dma_wait3A] : memref<1x16xf32, #tpu.memory_space<hbm>> -> memref<1x16xf32, #tpu.memory_space<hbm>>
      %dma_wait3A_49 = tpu.memref_squeeze %dma_wait3A_48 : memref<1x16xf32, #tpu.memory_space<hbm>> -> memref<16xf32, #tpu.memory_space<hbm>>
      %dma_wait3A_50 = arith.constant 0 : i32
      %dma_wait3A_51 = tpu.memref_slice %arg7[%run_scoped3A_2, %dma_wait3A_50] : memref<1x16xf32, #tpu.memory_space<hbm>> -> memref<1x16xf32, #tpu.memory_space<hbm>>
      %dma_wait3A_52 = tpu.memref_squeeze %dma_wait3A_51 : memref<1x16xf32, #tpu.memory_space<hbm>> -> memref<16xf32, #tpu.memory_space<hbm>>
      tpu.wait_dma2 semaphore(%run_scoped3A_42 : memref<!tpu.dma_semaphore, #tpu.memory_space<semaphore_mem>>) src(%dma_wait3A_52 : memref<16xf32, #tpu.memory_space<hbm>>) dst(%arg18 : memref<16xf32, #tpu.memory_space<vmem>>)
      tpu.yield
    }) : () -> ()
    %broadcast_in_dim3A = arith.constant 0.000000e+00 : f32
    %broadcast_in_dim3A_3 = vector.broadcast %broadcast_in_dim3A : f32 to vector<16xf32>
    %swap3A = arith.constant 10000 : index
    %swap3A_4 = tpu.vector_load %arg12[%swap3A] {strides = array<i32>} : memref<10240xf32, #tpu.memory_space<vmem>>, vector<16xf32>,
    tpu.vector_store %arg12[%swap3A], %broadcast_in_dim3A_3 {strides = array<i32>} : memref<10240xf32, #tpu.memory_space<vmem>>, vector<16xf32>,
    %mul3A_5 = arith.constant 640 : i32
    %mul3A_6 = arith.muli %arg1, %mul3A_5 : i32
    "tpu.region"() ({
      %run_scoped3A_42 = tpu.sem_alloc : memref<!tpu.dma_semaphore, #tpu.memory_space<semaphore_mem>>
      %dma_start3A = tpu.memref_slice %arg19[%mul3A_6] : memref<10240xf32, #tpu.memory_space<vmem_shared>> -> memref<640xf32, #tpu.memory_space<vmem_shared>>
      tpu.enqueue_dma source(%arg8 : memref<640xf32, #tpu.memory_space<hbm>>) target(%dma_start3A : memref<640xf32, #tpu.memory_space<vmem_shared>>) target_semaphore(%run_scoped3A_42 : memref<!tpu.dma_semaphore, #tpu.memory_space<semaphore_mem>>)
      %dma_wait3A = tpu.memref_slice %arg19[%mul3A_6] : memref<10240xf32, #tpu.memory_space<vmem_shared>> -> memref<640xf32, #tpu.memory_space<vmem_shared>>
      tpu.wait_dma2 semaphore(%run_scoped3A_42 : memref<!tpu.dma_semaphore, #tpu.memory_space<semaphore_mem>>) src(%arg8 : memref<640xf32, #tpu.memory_space<hbm>>) dst(%dma_wait3A : memref<640xf32, #tpu.memory_space<vmem_shared>>)
      tpu.yield
    }) : () -> ()
    %mul3A_7 = arith.constant 640 : i32
    %mul3A_8 = arith.muli %arg1, %mul3A_7 : i32
    "tpu.region"() ({
      %run_scoped3A_42 = tpu.sem_alloc : memref<!tpu.dma_semaphore, #tpu.memory_space<semaphore_mem>>
      %dma_start3A = arith.constant 0 : i32
      %dma_start3A_43 = tpu.memref_slice %arg20[%mul3A_8, %dma_start3A] : memref<10240x64xf32, #tpu.memory_space<vmem_shared>> -> memref<640x64xf32, #tpu.memory_space<vmem_shared>>
      tpu.enqueue_dma source(%arg9 : memref<640x64xf32, #tpu.memory_space<hbm>>) target(%dma_start3A_43 : memref<640x64xf32, #tpu.memory_space<vmem_shared>>) target_semaphore(%run_scoped3A_42 : memref<!tpu.dma_semaphore, #tpu.memory_space<semaphore_mem>>)
      %dma_wait3A = arith.constant 0 : i32
      %dma_wait3A_44 = tpu.memref_slice %arg20[%mul3A_8, %dma_wait3A] : memref<10240x64xf32, #tpu.memory_space<vmem_shared>> -> memref<640x64xf32, #tpu.memory_space<vmem_shared>>
      tpu.wait_dma2 semaphore(%run_scoped3A_42 : memref<!tpu.dma_semaphore, #tpu.memory_space<semaphore_mem>>) src(%arg9 : memref<640x64xf32, #tpu.memory_space<hbm>>) dst(%dma_wait3A_44 : memref<640x64xf32, #tpu.memory_space<vmem_shared>>)
      tpu.yield
    }) : () -> ()
    %barrier3A = arith.constant 0 : index
    tpu.barrier barrier_id(%barrier3A)
    %get3A = arith.constant 0 : index
    %get3A_9 = tpu.vector_load %arg18[%get3A] {strides = array<i32>} : memref<16xf32, #tpu.memory_space<vmem>>, vector<16xf32>,
    %scan3A = arith.constant 0 : i32
    %scan3A_10 = arith.constant 0 : i32
    %scan3A_11 = arith.constant 30 : i32
    %scan3A_12 = arith.addi %scan3A_10, %scan3A_11 : i32
    %scan3A_13 = arith.constant 1 : i32
    scf.for %scan3A_42 = %scan3A_10 to %scan3A_12 step %scan3A_13  : i32 {
      %mul3A_43 = arith.constant 20640 : i32
      %mul3A_44 = arith.muli %arg1, %mul3A_43 : i32
      %mul3A_45 = arith.constant 688 : i32
      %mul3A_46 = arith.muli %scan3A_42, %mul3A_45 : i32
      %add3A_47 = arith.addi %mul3A_44, %mul3A_46 : i32
      "tpu.region"() ({
        %run_scoped3A_54 = tpu.sem_alloc : memref<!tpu.dma_semaphore, #tpu.memory_space<semaphore_mem>>
        %dma_start3A = tpu.memref_slice %arg2[%add3A_47] : memref<330240xi32, #tpu.memory_space<hbm>> -> memref<688xi32, #tpu.memory_space<hbm>>
        %dma_start3A_55 = tpu.memref_slice %arg2[%add3A_47] : memref<330240xi32, #tpu.memory_space<hbm>> -> memref<688xi32, #tpu.memory_space<hbm>>
        tpu.enqueue_dma source(%dma_start3A_55 : memref<688xi32, #tpu.memory_space<hbm>>) target(%arg15 : memref<688xi32, #tpu.memory_space<vmem>>) target_semaphore(%run_scoped3A_54 : memref<!tpu.dma_semaphore, #tpu.memory_space<semaphore_mem>>)
        %dma_wait3A = tpu.memref_slice %arg2[%add3A_47] : memref<330240xi32, #tpu.memory_space<hbm>> -> memref<688xi32, #tpu.memory_space<hbm>>
        %dma_wait3A_56 = tpu.memref_slice %arg2[%add3A_47] : memref<330240xi32, #tpu.memory_space<hbm>> -> memref<688xi32, #tpu.memory_space<hbm>>
        tpu.wait_dma2 semaphore(%run_scoped3A_54 : memref<!tpu.dma_semaphore, #tpu.memory_space<semaphore_mem>>) src(%dma_wait3A_56 : memref<688xi32, #tpu.memory_space<hbm>>) dst(%arg15 : memref<688xi32, #tpu.memory_space<vmem>>)
        tpu.yield
      }) : () -> ()
      "tpu.region"() ({
        %run_scoped3A_54 = tpu.sem_alloc : memref<!tpu.dma_semaphore, #tpu.memory_space<semaphore_mem>>
        %dma_start3A = tpu.memref_slice %arg3[%add3A_47] : memref<330240xi32, #tpu.memory_space<hbm>> -> memref<688xi32, #tpu.memory_space<hbm>>
        %dma_start3A_55 = tpu.memref_slice %arg3[%add3A_47] : memref<330240xi32, #tpu.memory_space<hbm>> -> memref<688xi32, #tpu.memory_space<hbm>>
        tpu.enqueue_dma source(%dma_start3A_55 : memref<688xi32, #tpu.memory_space<hbm>>) target(%arg16 : memref<688xi32, #tpu.memory_space<vmem>>) target_semaphore(%run_scoped3A_54 : memref<!tpu.dma_semaphore, #tpu.memory_space<semaphore_mem>>)
        %dma_wait3A = tpu.memref_slice %arg3[%add3A_47] : memref<330240xi32, #tpu.memory_space<hbm>> -> memref<688xi32, #tpu.memory_space<hbm>>
        %dma_wait3A_56 = tpu.memref_slice %arg3[%add3A_47] : memref<330240xi32, #tpu.memory_space<hbm>> -> memref<688xi32, #tpu.memory_space<hbm>>
        tpu.wait_dma2 semaphore(%run_scoped3A_54 : memref<!tpu.dma_semaphore, #tpu.memory_space<semaphore_mem>>) src(%dma_wait3A_56 : memref<688xi32, #tpu.memory_space<hbm>>) dst(%arg16 : memref<688xi32, #tpu.memory_space<vmem>>)
        tpu.yield
      }) : () -> ()
      %scan3A_48 = arith.constant 0 : i32
      %scan3A_49 = arith.constant 0 : i32
      %scan3A_50 = arith.constant 43 : i32
      %scan3A_51 = arith.addi %scan3A_49, %scan3A_50 : i32
      %scan3A_52 = arith.constant 1 : i32
      scf.for %scan3A_54 = %scan3A_49 to %scan3A_51 step %scan3A_52  : i32 {
        %mul3A_55 = arith.constant 16 : i32
        %mul3A_56 = arith.muli %scan3A_54, %mul3A_55 : i32
        %get3A_57 = arith.index_cast %mul3A_56 : i32 to index
        %get3A_58 = tpu.vector_load %arg15[%get3A_57] {strides = array<i32>} : memref<688xi32, #tpu.memory_space<vmem>>, vector<16xi32>,
        %mul3A_59 = arith.constant 16 : i32
        %mul3A_60 = arith.muli %scan3A_54, %mul3A_59 : i32
        %get3A_61 = arith.index_cast %mul3A_60 : i32 to index
        %get3A_62 = tpu.vector_load %arg16[%get3A_61] {strides = array<i32>} : memref<688xi32, #tpu.memory_space<vmem>>, vector<16xi32>,
        %gather3A = tpu.vector_load_idx %arg11[%get3A_58] : memref<10240xf32, #tpu.memory_space<vmem>>[vector<16xi32>], vector<16xf32>,
        %gather3A_63 = tpu.vector_load_idx %arg12[%get3A_62] : memref<10240xf32, #tpu.memory_space<vmem>>[vector<16xi32>], vector<16xf32>,
        %add3A_64 = arith.addf %gather3A, %gather3A_63 : vector<16xf32>
        %ge3A = arith.constant 0.000000e+00 : f32
        %ge3A_65 = vector.broadcast %ge3A : f32 to vector<16xf32>
        %ge3A_66 = arith.cmpf oge, %add3A_64, %ge3A_65 : vector<16xf32>
        %mul3A_67 = arith.constant 2.000000e-01 : f32
        %mul3A_68 = vector.broadcast %mul3A_67 : f32 to vector<16xf32>
        %mul3A_69 = arith.mulf %mul3A_68, %add3A_64 : vector<16xf32>
        %select_n3A = arith.select %ge3A_66, %add3A_64, %mul3A_69 : vector<16xi1>, vector<16xf32>
        %sub3A = arith.subf %select_n3A, %get3A_9 : vector<16xf32>
        %exp3A = math.exp %sub3A : vector<16xf32>
        %mul3A_70 = arith.constant 16 : i32
        %mul3A_71 = arith.muli %scan3A_54, %mul3A_70 : i32
        %swap3A_72 = arith.index_cast %mul3A_71 : i32 to index
        %swap3A_73 = tpu.vector_load %arg17[%swap3A_72] {strides = array<i32>} : memref<688xf32, #tpu.memory_space<vmem>>, vector<16xf32>,
        tpu.vector_store %arg17[%swap3A_72], %exp3A {strides = array<i32>} : memref<688xf32, #tpu.memory_space<vmem>>, vector<16xf32>,
      }
      %scan3A_53 = arith.constant 43 : i32
      "tpu.region"() ({
        %run_scoped3A_54 = tpu.sem_alloc : memref<!tpu.dma_semaphore, #tpu.memory_space<semaphore_mem>>
        %dma_start3A = arith.constant 0 : i32
        %dma_start3A_55 = tpu.memref_slice %arg19[%dma_start3A] : memref<10240xf32, #tpu.memory_space<vmem_shared>> -> memref<10240xf32, #tpu.memory_space<vmem_shared>>
        tpu.enqueue_indirect_dma source(%arg17 : memref<688xf32, #tpu.memory_space<vmem>>) target(%dma_start3A_55 : memref<10240xf32, #tpu.memory_space<vmem_shared>>) offsets(%arg16 : memref<688xi32, #tpu.memory_space<vmem>>) semaphore(%run_scoped3A_54 : memref<!tpu.dma_semaphore, #tpu.memory_space<semaphore_mem>>) {add = true}
        %dma_wait3A = arith.constant 0 : i32
        %dma_wait3A_56 = tpu.memref_slice %arg19[%dma_wait3A] : memref<10240xf32, #tpu.memory_space<vmem_shared>> -> memref<10240xf32, #tpu.memory_space<vmem_shared>>
        tpu.wait_indirect_dma semaphore(%run_scoped3A_54 : memref<!tpu.dma_semaphore, #tpu.memory_space<semaphore_mem>>) src(%arg17 : memref<688xf32, #tpu.memory_space<vmem>>) dst(%dma_wait3A_56 : memref<10240xf32, #tpu.memory_space<vmem_shared>>)
        tpu.yield
      }) : () -> ()
    }
    %scan3A_14 = arith.constant 30 : i32
    %barrier3A_15 = arith.constant 0 : index
    tpu.barrier barrier_id(%barrier3A_15)
    "tpu.region"() ({
      %run_scoped3A_42 = tpu.sem_alloc : memref<!tpu.dma_semaphore, #tpu.memory_space<semaphore_mem>>
      tpu.enqueue_dma source(%arg19 : memref<10240xf32, #tpu.memory_space<vmem_shared>>) target(%arg13 : memref<10240xf32, #tpu.memory_space<vmem>>) target_semaphore(%run_scoped3A_42 : memref<!tpu.dma_semaphore, #tpu.memory_space<semaphore_mem>>)
      tpu.wait_dma2 semaphore(%run_scoped3A_42 : memref<!tpu.dma_semaphore, #tpu.memory_space<semaphore_mem>>) src(%arg19 : memref<10240xf32, #tpu.memory_space<vmem_shared>>) dst(%arg13 : memref<10240xf32, #tpu.memory_space<vmem>>)
      tpu.yield
    }) : () -> ()
    %iota3A = tpu.iota {dimensions = array<i32: 0>} : vector<16xi32>
    %add3A_16 = arith.constant 0 : i32
    %add3A_17 = vector.broadcast %add3A_16 : i32 to vector<16xi32>
    %add3A_18 = arith.addi %iota3A, %add3A_17 : vector<16xi32>
    %iota3A_19 = tpu.iota {dimensions = array<i32: 0>} : vector<16xi32>
    %add3A_20 = arith.constant 16 : i32
    %add3A_21 = vector.broadcast %add3A_20 : i32 to vector<16xi32>
    %add3A_22 = arith.addi %iota3A_19, %add3A_21 : vector<16xi32>
    %iota3A_23 = tpu.iota {dimensions = array<i32: 0>} : vector<16xi32>
    %add3A_24 = arith.constant 32 : i32
    %add3A_25 = vector.broadcast %add3A_24 : i32 to vector<16xi32>
    %add3A_26 = arith.addi %iota3A_23, %add3A_25 : vector<16xi32>
    %iota3A_27 = tpu.iota {dimensions = array<i32: 0>} : vector<16xi32>
    %add3A_28 = arith.constant 48 : i32
    %add3A_29 = vector.broadcast %add3A_28 : i32 to vector<16xi32>
    %add3A_30 = arith.addi %iota3A_27, %add3A_29 : vector<16xi32>
    %scan3A_31 = arith.constant 0 : i32
    %scan3A_32 = arith.constant 0 : i32
    %scan3A_33 = arith.constant 15 : i32
    %scan3A_34 = arith.addi %scan3A_32, %scan3A_33 : i32
    %scan3A_35 = arith.constant 1 : i32
    scf.for %scan3A_42 = %scan3A_32 to %scan3A_34 step %scan3A_35  : i32 {
      %mul3A_43 = arith.constant 10320 : i32
      %mul3A_44 = arith.muli %add3A, %mul3A_43 : i32
      %mul3A_45 = arith.constant 688 : i32
      %mul3A_46 = arith.muli %scan3A_42, %mul3A_45 : i32
      %add3A_47 = arith.addi %mul3A_44, %mul3A_46 : i32
      "tpu.region"() ({
        %run_scoped3A_64 = tpu.sem_alloc : memref<!tpu.dma_semaphore, #tpu.memory_space<semaphore_mem>>
        %dma_start3A_65 = tpu.memref_slice %arg2[%add3A_47] : memref<330240xi32, #tpu.memory_space<hbm>> -> memref<688xi32, #tpu.memory_space<hbm>>
        %dma_start3A_66 = tpu.memref_slice %arg2[%add3A_47] : memref<330240xi32, #tpu.memory_space<hbm>> -> memref<688xi32, #tpu.memory_space<hbm>>
        tpu.enqueue_dma source(%dma_start3A_66 : memref<688xi32, #tpu.memory_space<hbm>>) target(%arg15 : memref<688xi32, #tpu.memory_space<vmem>>) target_semaphore(%run_scoped3A_64 : memref<!tpu.dma_semaphore, #tpu.memory_space<semaphore_mem>>)
        %dma_wait3A_67 = tpu.memref_slice %arg2[%add3A_47] : memref<330240xi32, #tpu.memory_space<hbm>> -> memref<688xi32, #tpu.memory_space<hbm>>
        %dma_wait3A_68 = tpu.memref_slice %arg2[%add3A_47] : memref<330240xi32, #tpu.memory_space<hbm>> -> memref<688xi32, #tpu.memory_space<hbm>>
        tpu.wait_dma2 semaphore(%run_scoped3A_64 : memref<!tpu.dma_semaphore, #tpu.memory_space<semaphore_mem>>) src(%dma_wait3A_68 : memref<688xi32, #tpu.memory_space<hbm>>) dst(%arg15 : memref<688xi32, #tpu.memory_space<vmem>>)
        tpu.yield
      }) : () -> ()
      "tpu.region"() ({
        %run_scoped3A_64 = tpu.sem_alloc : memref<!tpu.dma_semaphore, #tpu.memory_space<semaphore_mem>>
        %dma_start3A_65 = tpu.memref_slice %arg3[%add3A_47] : memref<330240xi32, #tpu.memory_space<hbm>> -> memref<688xi32, #tpu.memory_space<hbm>>
        %dma_start3A_66 = tpu.memref_slice %arg3[%add3A_47] : memref<330240xi32, #tpu.memory_space<hbm>> -> memref<688xi32, #tpu.memory_space<hbm>>
        tpu.enqueue_dma source(%dma_start3A_66 : memref<688xi32, #tpu.memory_space<hbm>>) target(%arg16 : memref<688xi32, #tpu.memory_space<vmem>>) target_semaphore(%run_scoped3A_64 : memref<!tpu.dma_semaphore, #tpu.memory_space<semaphore_mem>>)
        %dma_wait3A_67 = tpu.memref_slice %arg3[%add3A_47] : memref<330240xi32, #tpu.memory_space<hbm>> -> memref<688xi32, #tpu.memory_space<hbm>>
        %dma_wait3A_68 = tpu.memref_slice %arg3[%add3A_47] : memref<330240xi32, #tpu.memory_space<hbm>> -> memref<688xi32, #tpu.memory_space<hbm>>
        tpu.wait_dma2 semaphore(%run_scoped3A_64 : memref<!tpu.dma_semaphore, #tpu.memory_space<semaphore_mem>>) src(%dma_wait3A_68 : memref<688xi32, #tpu.memory_space<hbm>>) dst(%arg16 : memref<688xi32, #tpu.memory_space<vmem>>)
        tpu.yield
      }) : () -> ()
      %dma_start3A = arith.constant 0 : i32
      %dma_start3A_48 = arith.constant 0 : i32
      %dma_start3A_49 = tpu.memref_slice %arg6[%dma_start3A, %dma_start3A_48] : memref<10000x64xf32, #tpu.memory_space<hbm>> -> memref<10000x64xf32, #tpu.memory_space<hbm>>
      tpu.enqueue_indirect_dma source(%dma_start3A_49 : memref<10000x64xf32, #tpu.memory_space<hbm>>) target(%arg14 : memref<688x64xf32, #tpu.memory_space<vmem>>) offsets(%arg15 : memref<688xi32, #tpu.memory_space<vmem>>) semaphore(%arg21 : memref<!tpu.dma_semaphore, #tpu.memory_space<semaphore_mem>>)
      %dma_wait3A = arith.constant 0 : i32
      %dma_wait3A_50 = arith.constant 0 : i32
      %dma_wait3A_51 = tpu.memref_slice %arg6[%dma_wait3A, %dma_wait3A_50] : memref<10000x64xf32, #tpu.memory_space<hbm>> -> memref<10000x64xf32, #tpu.memory_space<hbm>>
      tpu.wait_indirect_dma semaphore(%arg21 : memref<!tpu.dma_semaphore, #tpu.memory_space<semaphore_mem>>) src(%dma_wait3A_51 : memref<10000x64xf32, #tpu.memory_space<hbm>>) dst(%arg14 : memref<688x64xf32, #tpu.memory_space<vmem>>)
      %scan3A_52 = arith.constant 0 : i32
      %scan3A_53 = arith.constant 0 : i32
      %scan3A_54 = arith.constant 43 : i32
      %scan3A_55 = arith.addi %scan3A_53, %scan3A_54 : i32
      %scan3A_56 = arith.constant 1 : i32
      scf.for %scan3A_64 = %scan3A_53 to %scan3A_55 step %scan3A_56  : i32 {
        %mul3A_65 = arith.constant 16 : i32
        %mul3A_66 = arith.muli %scan3A_64, %mul3A_65 : i32
        %get3A_67 = arith.index_cast %mul3A_66 : i32 to index
        %get3A_68 = tpu.vector_load %arg15[%get3A_67] {strides = array<i32>} : memref<688xi32, #tpu.memory_space<vmem>>, vector<16xi32>,
        %mul3A_69 = arith.constant 16 : i32
        %mul3A_70 = arith.muli %scan3A_64, %mul3A_69 : i32
        %get3A_71 = arith.index_cast %mul3A_70 : i32 to index
        %get3A_72 = tpu.vector_load %arg16[%get3A_71] {strides = array<i32>} : memref<688xi32, #tpu.memory_space<vmem>>, vector<16xi32>,
        %gather3A = tpu.vector_load_idx %arg11[%get3A_68] : memref<10240xf32, #tpu.memory_space<vmem>>[vector<16xi32>], vector<16xf32>,
        %gather3A_73 = tpu.vector_load_idx %arg12[%get3A_72] : memref<10240xf32, #tpu.memory_space<vmem>>[vector<16xi32>], vector<16xf32>,
        %add3A_74 = arith.addf %gather3A, %gather3A_73 : vector<16xf32>
        %ge3A = arith.constant 0.000000e+00 : f32
        %ge3A_75 = vector.broadcast %ge3A : f32 to vector<16xf32>
        %ge3A_76 = arith.cmpf oge, %add3A_74, %ge3A_75 : vector<16xf32>
        %mul3A_77 = arith.constant 2.000000e-01 : f32
        %mul3A_78 = vector.broadcast %mul3A_77 : f32 to vector<16xf32>
        %mul3A_79 = arith.mulf %mul3A_78, %add3A_74 : vector<16xf32>
        %select_n3A = arith.select %ge3A_76, %add3A_74, %mul3A_79 : vector<16xi1>, vector<16xf32>
        %sub3A = arith.subf %select_n3A, %get3A_9 : vector<16xf32>
        %exp3A = math.exp %sub3A : vector<16xf32>
        %gather3A_80 = tpu.vector_load_idx %arg13[%get3A_72] : memref<10240xf32, #tpu.memory_space<vmem>>[vector<16xi32>], vector<16xf32>,
        %add3A_81 = arith.constant 1.000000e-16 : f32
        %add3A_82 = vector.broadcast %add3A_81 : f32 to vector<16xf32>
        %add3A_83 = arith.addf %gather3A_80, %add3A_82 : vector<16xf32>
        %div3A = arith.divf %exp3A, %add3A_83 : vector<16xf32>
        %mul3A_84 = arith.constant 16 : i32
        %mul3A_85 = arith.muli %scan3A_64, %mul3A_84 : i32
        %swap3A_86 = arith.index_cast %mul3A_85 : i32 to index
        %swap3A_87 = tpu.vector_load %arg17[%swap3A_86] {strides = array<i32>} : memref<688xf32, #tpu.memory_space<vmem>>, vector<16xf32>,
        tpu.vector_store %arg17[%swap3A_86], %div3A {strides = array<i32>} : memref<688xf32, #tpu.memory_space<vmem>>, vector<16xf32>,
      }
      %scan3A_57 = arith.constant 43 : i32
      %scan3A_58 = arith.constant 0 : i32
      %scan3A_59 = arith.constant 0 : i32
      %scan3A_60 = arith.constant 688 : i32
      %scan3A_61 = arith.addi %scan3A_59, %scan3A_60 : i32
      %scan3A_62 = arith.constant 1 : i32
      scf.for %scan3A_64 = %scan3A_59 to %scan3A_61 step %scan3A_62  : i32 {
        %broadcast_in_dim3A_65 = arith.constant 0 : i32
        %broadcast_in_dim3A_66 = vector.broadcast %broadcast_in_dim3A_65 : i32 to vector<16xi32>
        %add3A_67 = vector.broadcast %scan3A_64 : i32 to vector<16xi32>
        %add3A_68 = arith.addi %broadcast_in_dim3A_66, %add3A_67 : vector<16xi32>
        %gather3A = tpu.vector_load_idx %arg17[%add3A_68] : memref<688xf32, #tpu.memory_space<vmem>>[vector<16xi32>], vector<16xf32>,
        %gather3A_69 = tpu.vector_load_idx %arg14[%add3A_68, %add3A_18] : memref<688x64xf32, #tpu.memory_space<vmem>>[vector<16xi32>, vector<16xi32>], vector<16xf32>,
        %mul3A_70 = arith.mulf %gather3A_69, %gather3A : vector<16xf32>
        tpu.vector_store_idx %arg14[%add3A_68, %add3A_18], %mul3A_70 : memref<688x64xf32, #tpu.memory_space<vmem>>[vector<16xi32>, vector<16xi32>], vector<16xf32>,
        %gather3A_71 = tpu.vector_load_idx %arg14[%add3A_68, %add3A_22] : memref<688x64xf32, #tpu.memory_space<vmem>>[vector<16xi32>, vector<16xi32>], vector<16xf32>,
        %mul3A_72 = arith.mulf %gather3A_71, %gather3A : vector<16xf32>
        tpu.vector_store_idx %arg14[%add3A_68, %add3A_22], %mul3A_72 : memref<688x64xf32, #tpu.memory_space<vmem>>[vector<16xi32>, vector<16xi32>], vector<16xf32>,
        %gather3A_73 = tpu.vector_load_idx %arg14[%add3A_68, %add3A_26] : memref<688x64xf32, #tpu.memory_space<vmem>>[vector<16xi32>, vector<16xi32>], vector<16xf32>,
        %mul3A_74 = arith.mulf %gather3A_73, %gather3A : vector<16xf32>
        tpu.vector_store_idx %arg14[%add3A_68, %add3A_26], %mul3A_74 : memref<688x64xf32, #tpu.memory_space<vmem>>[vector<16xi32>, vector<16xi32>], vector<16xf32>,
        %gather3A_75 = tpu.vector_load_idx %arg14[%add3A_68, %add3A_30] : memref<688x64xf32, #tpu.memory_space<vmem>>[vector<16xi32>, vector<16xi32>], vector<16xf32>,
        %mul3A_76 = arith.mulf %gather3A_75, %gather3A : vector<16xf32>
        tpu.vector_store_idx %arg14[%add3A_68, %add3A_30], %mul3A_76 : memref<688x64xf32, #tpu.memory_space<vmem>>[vector<16xi32>, vector<16xi32>], vector<16xf32>,
      }
      %scan3A_63 = arith.constant 688 : i32
      "tpu.region"() ({
        %run_scoped3A_64 = tpu.sem_alloc : memref<!tpu.dma_semaphore, #tpu.memory_space<semaphore_mem>>
        %dma_start3A_65 = arith.constant 0 : i32
        %dma_start3A_66 = arith.constant 0 : i32
        %dma_start3A_67 = tpu.memref_slice %arg20[%dma_start3A_65, %dma_start3A_66] : memref<10240x64xf32, #tpu.memory_space<vmem_shared>> -> memref<10240x64xf32, #tpu.memory_space<vmem_shared>>
        tpu.enqueue_indirect_dma source(%arg14 : memref<688x64xf32, #tpu.memory_space<vmem>>) target(%dma_start3A_67 : memref<10240x64xf32, #tpu.memory_space<vmem_shared>>) offsets(%arg16 : memref<688xi32, #tpu.memory_space<vmem>>) semaphore(%run_scoped3A_64 : memref<!tpu.dma_semaphore, #tpu.memory_space<semaphore_mem>>) {add = true}
        %dma_wait3A_68 = arith.constant 0 : i32
        %dma_wait3A_69 = arith.constant 0 : i32
        %dma_wait3A_70 = tpu.memref_slice %arg20[%dma_wait3A_68, %dma_wait3A_69] : memref<10240x64xf32, #tpu.memory_space<vmem_shared>> -> memref<10240x64xf32, #tpu.memory_space<vmem_shared>>
        tpu.wait_indirect_dma semaphore(%run_scoped3A_64 : memref<!tpu.dma_semaphore, #tpu.memory_space<semaphore_mem>>) src(%arg14 : memref<688x64xf32, #tpu.memory_space<vmem>>) dst(%dma_wait3A_70 : memref<10240x64xf32, #tpu.memory_space<vmem_shared>>)
        tpu.yield
      }) : () -> ()
    }
    %scan3A_36 = arith.constant 15 : i32
    %barrier3A_37 = arith.constant 0 : index
    tpu.barrier barrier_id(%barrier3A_37)
    %mul3A_38 = arith.constant 640 : i32
    %mul3A_39 = arith.muli %arg1, %mul3A_38 : i32
    %mul3A_40 = arith.constant 640 : i32
    %mul3A_41 = arith.muli %arg1, %mul3A_40 : i32
    "tpu.region"() ({
      %run_scoped3A_42 = tpu.sem_alloc : memref<!tpu.dma_semaphore, #tpu.memory_space<semaphore_mem>>
      %dma_start3A = arith.constant 0 : i32
      %dma_start3A_43 = tpu.memref_slice %arg10[%arg0, %mul3A_41, %dma_start3A] : memref<2x10240x64xf32, #tpu.memory_space<hbm>> -> memref<1x640x64xf32, #tpu.memory_space<hbm>>
      %dma_start3A_44 = tpu.memref_squeeze %dma_start3A_43 : memref<1x640x64xf32, #tpu.memory_space<hbm>> -> memref<640x64xf32, #tpu.memory_space<hbm>>
      %dma_start3A_45 = arith.constant 0 : i32
      %dma_start3A_46 = tpu.memref_slice %arg20[%mul3A_39, %dma_start3A_45] : memref<10240x64xf32, #tpu.memory_space<vmem_shared>> -> memref<640x64xf32, #tpu.memory_space<vmem_shared>>
      tpu.enqueue_dma source(%dma_start3A_46 : memref<640x64xf32, #tpu.memory_space<vmem_shared>>) target(%dma_start3A_44 : memref<640x64xf32, #tpu.memory_space<hbm>>) target_semaphore(%run_scoped3A_42 : memref<!tpu.dma_semaphore, #tpu.memory_space<semaphore_mem>>)
      %dma_wait3A = arith.constant 0 : i32
      %dma_wait3A_47 = tpu.memref_slice %arg10[%arg0, %mul3A_41, %dma_wait3A] : memref<2x10240x64xf32, #tpu.memory_space<hbm>> -> memref<1x640x64xf32, #tpu.memory_space<hbm>>
      %dma_wait3A_48 = tpu.memref_squeeze %dma_wait3A_47 : memref<1x640x64xf32, #tpu.memory_space<hbm>> -> memref<640x64xf32, #tpu.memory_space<hbm>>
      %dma_wait3A_49 = arith.constant 0 : i32
      %dma_wait3A_50 = tpu.memref_slice %arg20[%mul3A_39, %dma_wait3A_49] : memref<10240x64xf32, #tpu.memory_space<vmem_shared>> -> memref<640x64xf32, #tpu.memory_space<vmem_shared>>
      tpu.wait_dma2 semaphore(%run_scoped3A_42 : memref<!tpu.dma_semaphore, #tpu.memory_space<semaphore_mem>>) src(%dma_wait3A_50 : memref<640x64xf32, #tpu.memory_space<vmem_shared>>) dst(%dma_wait3A_48 : memref<640x64xf32, #tpu.memory_space<hbm>>)
      tpu.yield
    }) : () -> ()
    return
  }
}

module attributes {stable_mosaic.version = 14 : i64} {
  func.func @_tc1_body(%arg0: memref<10000x128xf32, #tpu.memory_space<vmem>>, %arg1: memref<64x128xf32, #tpu.memory_space<vmem>>, %arg2: memref<1x64xf32, #tpu.memory_space<vmem>>, %arg3: memref<64x64xf32, #tpu.memory_space<vmem>>, %arg4: memref<1x64xf32, #tpu.memory_space<vmem>>, %arg5: memref<1x64xf32, #tpu.memory_space<vmem>>, %arg6: memref<10000x64xf32, #tpu.memory_space<vmem>>, %arg7: memref<1x10000xf32, #tpu.memory_space<vmem>>, %arg8: memref<1x10000xf32, #tpu.memory_space<vmem>>, %arg9: memref<1x16xf32, #tpu.memory_space<vmem>>) attributes {dimension_semantics = [], scalar_prefetch = 0 : i64, scratch_operands = 0 : i64, tpu.core_type = #tpu.core_type<tc>} {
    %get3A = arith.constant 0 : index
    %get3A_0 = arith.constant 0 : index
    %get3A_1 = vector.load %arg0[%get3A, %get3A_0] : memref<10000x128xf32, #tpu.memory_space<vmem>>, vector<10000x128xf32>
    %get3A_2 = arith.constant 0 : index
    %get3A_3 = arith.constant 0 : index
    %get3A_4 = vector.load %arg1[%get3A_2, %get3A_3] : memref<64x128xf32, #tpu.memory_space<vmem>>, vector<64x128xf32>
    %dot_general3A = arith.constant dense<0.000000e+00> : vector<10000x64xf32>
    %dot_general3A_5 = tpu.matmul %get3A_1, %get3A_4, %dot_general3A {dimension_numbers = #tpu.dot_dimension_numbers<[1], [1], [0], [0], [0, 0, 1, 0], [], []>, transpose_lhs_hint = false} : vector<10000x128xf32>, vector<64x128xf32>, vector<10000x64xf32> -> vector<10000x64xf32>
    %get3A_6 = arith.constant 0 : index
    %get3A_7 = arith.constant 0 : index
    %get3A_8 = vector.load %arg2[%get3A_6, %get3A_7] : memref<1x64xf32, #tpu.memory_space<vmem>>, vector<1x64xf32>
    %add3A = vector.broadcast %get3A_8 : vector<1x64xf32> to vector<10000x64xf32>
    %add3A_9 = arith.addf %dot_general3A_5, %add3A : vector<10000x64xf32>
    %max3A = arith.constant 0.000000e+00 : f32
    %max3A_10 = vector.broadcast %max3A : f32 to vector<10000x64xf32>
    %max3A_11 = arith.maximumf %add3A_9, %max3A_10 : vector<10000x64xf32>
    %get3A_12 = arith.constant 0 : index
    %get3A_13 = arith.constant 0 : index
    %get3A_14 = vector.load %arg3[%get3A_12, %get3A_13] : memref<64x64xf32, #tpu.memory_space<vmem>>, vector<64x64xf32>
    %dot_general3A_15 = arith.constant dense<0.000000e+00> : vector<10000x64xf32>
    %dot_general3A_16 = tpu.matmul %max3A_11, %get3A_14, %dot_general3A_15 {dimension_numbers = #tpu.dot_dimension_numbers<[1], [1], [0], [0], [0, 0, 1, 0], [], []>, transpose_lhs_hint = false} : vector<10000x64xf32>, vector<64x64xf32>, vector<10000x64xf32> -> vector<10000x64xf32>
    %swap3A = arith.constant 0 : index
    %swap3A_17 = arith.constant 0 : index
    %swap3A_18 = vector.load %arg6[%swap3A, %swap3A_17] : memref<10000x64xf32, #tpu.memory_space<vmem>>, vector<10000x64xf32>
    tpu.vector_store %arg6[%swap3A, %swap3A_17], %dot_general3A_16 {strides = array<i32>} : memref<10000x64xf32, #tpu.memory_space<vmem>>, vector<10000x64xf32>,
    %get3A_19 = arith.constant 0 : index
    %get3A_20 = arith.constant 0 : index
    %get3A_21 = vector.load %arg4[%get3A_19, %get3A_20] : memref<1x64xf32, #tpu.memory_space<vmem>>, vector<1x64xf32>
    %mul3A = vector.broadcast %get3A_21 : vector<1x64xf32> to vector<10000x64xf32>
    %mul3A_22 = arith.mulf %dot_general3A_16, %mul3A : vector<10000x64xf32>
    %reduce_sum3A = arith.constant dense<0.000000e+00> : vector<10000xf32>
    %reduce_sum3A_23 = vector.multi_reduction <add>, %mul3A_22, %reduce_sum3A [1] : vector<10000x64xf32> to vector<10000xf32>
    %get3A_24 = arith.constant 0 : index
    %get3A_25 = arith.constant 0 : index
    %get3A_26 = vector.load %arg5[%get3A_24, %get3A_25] : memref<1x64xf32, #tpu.memory_space<vmem>>, vector<1x64xf32>
    %mul3A_27 = vector.broadcast %get3A_26 : vector<1x64xf32> to vector<10000x64xf32>
    %mul3A_28 = arith.mulf %dot_general3A_16, %mul3A_27 : vector<10000x64xf32>
    %reduce_sum3A_29 = arith.constant dense<0.000000e+00> : vector<10000xf32>
    %reduce_sum3A_30 = vector.multi_reduction <add>, %mul3A_28, %reduce_sum3A_29 [1] : vector<10000x64xf32> to vector<10000xf32>
    %broadcast_in_dim3A = vector.shape_cast %reduce_sum3A_23 : vector<10000xf32> to vector<1x10000xf32>
    %swap3A_31 = arith.constant 0 : index
    %swap3A_32 = arith.constant 0 : index
    %swap3A_33 = vector.load %arg7[%swap3A_31, %swap3A_32] : memref<1x10000xf32, #tpu.memory_space<vmem>>, vector<1x10000xf32>
    tpu.vector_store %arg7[%swap3A_31, %swap3A_32], %broadcast_in_dim3A {strides = array<i32>} : memref<1x10000xf32, #tpu.memory_space<vmem>>, vector<1x10000xf32>,
    %broadcast_in_dim3A_34 = vector.shape_cast %reduce_sum3A_30 : vector<10000xf32> to vector<1x10000xf32>
    %swap3A_35 = arith.constant 0 : index
    %swap3A_36 = arith.constant 0 : index
    %swap3A_37 = vector.load %arg8[%swap3A_35, %swap3A_36] : memref<1x10000xf32, #tpu.memory_space<vmem>>, vector<1x10000xf32>
    tpu.vector_store %arg8[%swap3A_35, %swap3A_36], %broadcast_in_dim3A_34 {strides = array<i32>} : memref<1x10000xf32, #tpu.memory_space<vmem>>, vector<1x10000xf32>,
    %reduce_max3A = vector.shape_cast %reduce_sum3A_23 : vector<10000xf32> to vector<1x10000xf32>
    %reduce_max3A_38 = arith.constant dense<0xFF800000> : vector<1xf32>
    %reduce_max3A_39 = vector.multi_reduction <maximumf>, %reduce_max3A, %reduce_max3A_38 [1] : vector<1x10000xf32> to vector<1xf32>
    %reduce_max3A_40 = vector.shape_cast %reduce_max3A_39 : vector<1xf32> to vector<1x1xf32>
    %reduce_max3A_41 = vector.extract %reduce_max3A_40[0, 0] : f32 from vector<1x1xf32>
    %reduce_max3A_42 = vector.shape_cast %reduce_sum3A_30 : vector<10000xf32> to vector<1x10000xf32>
    %reduce_max3A_43 = arith.constant dense<0xFF800000> : vector<1xf32>
    %reduce_max3A_44 = vector.multi_reduction <maximumf>, %reduce_max3A_42, %reduce_max3A_43 [1] : vector<1x10000xf32> to vector<1xf32>
    %reduce_max3A_45 = vector.shape_cast %reduce_max3A_44 : vector<1xf32> to vector<1x1xf32>
    %reduce_max3A_46 = vector.extract %reduce_max3A_45[0, 0] : f32 from vector<1x1xf32>
    %add3A_47 = arith.addf %reduce_max3A_41, %reduce_max3A_46 : f32
    %ge3A = arith.constant 0.000000e+00 : f32
    %ge3A_48 = arith.cmpf oge, %add3A_47, %ge3A : f32
    %mul3A_49 = arith.constant 2.000000e-01 : f32
    %mul3A_50 = arith.mulf %mul3A_49, %add3A_47 : f32
    %select_n3A = arith.select %ge3A_48, %add3A_47, %mul3A_50 : f32
    %broadcast_in_dim3A_51 = vector.broadcast %select_n3A : f32 to vector<1x16xf32>
    %swap3A_52 = arith.constant 0 : index
    %swap3A_53 = arith.constant 0 : index
    %swap3A_54 = vector.load %arg9[%swap3A_52, %swap3A_53] : memref<1x16xf32, #tpu.memory_space<vmem>>, vector<1x16xf32>
    tpu.vector_store %arg9[%swap3A_52, %swap3A_53], %broadcast_in_dim3A_51 {strides = array<i32>} : memref<1x16xf32, #tpu.memory_space<vmem>>, vector<1x16xf32>,
    return
  }
}

module attributes {stable_mosaic.version = 14 : i64} {
  func.func @_tc2_body(%arg0: i32, %arg1: i32, %arg2: memref<1024x64xf32, #tpu.memory_space<vmem>>, %arg3: memref<1024x64xf32, #tpu.memory_space<vmem>>, %arg4: memref<1024x64xf32, #tpu.memory_space<vmem>>, %arg5: memref<1024x64xf32, #tpu.memory_space<vmem>>, %arg6: memref<1x64xf32, #tpu.memory_space<vmem>>, %arg7: memref<1024x1024xf32, #tpu.memory_space<vmem>>, %arg8: memref<1024x64xf32, #tpu.memory_space<vmem>>) attributes {dimension_semantics = [#tpu.dimension_semantics<arbitrary>, #tpu.dimension_semantics<arbitrary>], iteration_bounds = array<i64: 10, 10>, scalar_prefetch = 0 : i64, scratch_operands = 0 : i64, tpu.core_type = #tpu.core_type<tc>, window_params = [{transform_indices = @transform_0, window_bounds = array<i64: 1024, 64>}, {transform_indices = @transform_1, window_bounds = array<i64: 1024, 64>}, {transform_indices = @transform_2, window_bounds = array<i64: 1024, 64>}, {transform_indices = @transform_3, window_bounds = array<i64: 1024, 64>}, {pipeline_mode = #tpu.pipeline_mode<synchronous>, transform_indices = @transform_4, window_bounds = array<i64: 1, 64>}, {transform_indices = @transform_5, window_bounds = array<i64: 1024, 1024>}, {transform_indices = @transform_6, window_bounds = array<i64: 1024, 64>}]} {
    %get3A = arith.constant 0 : index
    %get3A_0 = arith.constant 0 : index
    %get3A_1 = vector.load %arg2[%get3A, %get3A_0] : memref<1024x64xf32, #tpu.memory_space<vmem>>, vector<1024x64xf32>
    %get3A_2 = arith.constant 0 : index
    %get3A_3 = arith.constant 0 : index
    %get3A_4 = vector.load %arg3[%get3A_2, %get3A_3] : memref<1024x64xf32, #tpu.memory_space<vmem>>, vector<1024x64xf32>
    %add3A = arith.addf %get3A_1, %get3A_4 : vector<1024x64xf32>
    %get3A_5 = arith.constant 0 : index
    %get3A_6 = arith.constant 0 : index
    %get3A_7 = vector.load %arg6[%get3A_5, %get3A_6] : memref<1x64xf32, #tpu.memory_space<vmem>>, vector<1x64xf32>
    %add3A_8 = vector.broadcast %get3A_7 : vector<1x64xf32> to vector<1024x64xf32>
    %add3A_9 = arith.addf %add3A, %add3A_8 : vector<1024x64xf32>
    %get3A_10 = arith.constant 0 : index
    %get3A_11 = arith.constant 0 : index
    %get3A_12 = vector.load %arg4[%get3A_10, %get3A_11] : memref<1024x64xf32, #tpu.memory_space<vmem>>, vector<1024x64xf32>
    %get3A_13 = arith.constant 0 : index
    %get3A_14 = arith.constant 0 : index
    %get3A_15 = vector.load %arg5[%get3A_13, %get3A_14] : memref<1024x64xf32, #tpu.memory_space<vmem>>, vector<1024x64xf32>
    %add3A_16 = arith.addf %get3A_12, %get3A_15 : vector<1024x64xf32>
    %get3A_17 = arith.constant 0 : index
    %get3A_18 = arith.constant 0 : index
    %get3A_19 = vector.load %arg6[%get3A_17, %get3A_18] : memref<1x64xf32, #tpu.memory_space<vmem>>, vector<1x64xf32>
    %add3A_20 = vector.broadcast %get3A_19 : vector<1x64xf32> to vector<1024x64xf32>
    %add3A_21 = arith.addf %add3A_16, %add3A_20 : vector<1024x64xf32>
    %dot_general3A = arith.constant dense<0.000000e+00> : vector<1024x1024xf32>
    %dot_general3A_22 = tpu.matmul %add3A_9, %add3A_21, %dot_general3A {dimension_numbers = #tpu.dot_dimension_numbers<[1], [1], [0], [0], [0, 0, 1, 0], [], []>, transpose_lhs_hint = false} : vector<1024x64xf32>, vector<1024x64xf32>, vector<1024x1024xf32> -> vector<1024x1024xf32>
    %logistic3A = arith.negf %dot_general3A_22 : vector<1024x1024xf32>
    %logistic3A_23 = math.exp %logistic3A : vector<1024x1024xf32>
    %logistic3A_24 = arith.constant 1.000000e+00 : f32
    %logistic3A_25 = vector.broadcast %logistic3A_24 : f32 to vector<1024x1024xf32>
    %logistic3A_26 = arith.addf %logistic3A_25, %logistic3A_23 : vector<1024x1024xf32>
    %logistic3A_27 = arith.divf %logistic3A_25, %logistic3A_26 : vector<1024x1024xf32>
    %swap3A = arith.constant 0 : index
    %swap3A_28 = arith.constant 0 : index
    %swap3A_29 = vector.load %arg7[%swap3A, %swap3A_28] : memref<1024x1024xf32, #tpu.memory_space<vmem>>, vector<1024x1024xf32>
    tpu.vector_store %arg7[%swap3A, %swap3A_28], %logistic3A_27 {strides = array<i32>} : memref<1024x1024xf32, #tpu.memory_space<vmem>>, vector<1024x1024xf32>,
    %eq3A = arith.constant 0 : i32
    %eq3A_30 = arith.cmpi eq, %arg1, %eq3A : i32
    %convert_element_type3A = arith.extui %eq3A_30 : i1 to i32
    %cond3A = arith.constant 0 : i32
    %cond3A_31 = arith.cmpi ne, %convert_element_type3A, %cond3A : i32
    scf.if %cond3A_31 {
      %swap3A_32 = arith.constant 0 : index
      %swap3A_33 = arith.constant 0 : index
      %swap3A_34 = vector.load %arg8[%swap3A_32, %swap3A_33] : memref<1024x64xf32, #tpu.memory_space<vmem>>, vector<1024x64xf32>
      tpu.vector_store %arg8[%swap3A_32, %swap3A_33], %add3A_9 {strides = array<i32>} : memref<1024x64xf32, #tpu.memory_space<vmem>>, vector<1024x64xf32>,
    } else {
    }
    return
  }
  func.func @transform_0(%arg0: i32, %arg1: i32) -> (i32, i32) {
    %c0_i32 = arith.constant 0 : i32
    %c0_i32_0 = arith.constant 0 : i32
    return %arg0, %c0_i32 : i32, i32
  }
  func.func @transform_1(%arg0: i32, %arg1: i32) -> (i32, i32) {
    %c0_i32 = arith.constant 0 : i32
    %c0_i32_0 = arith.constant 0 : i32
    return %arg0, %c0_i32 : i32, i32
  }
  func.func @transform_2(%arg0: i32, %arg1: i32) -> (i32, i32) {
    %c0_i32 = arith.constant 0 : i32
    %c0_i32_0 = arith.constant 0 : i32
    return %arg1, %c0_i32 : i32, i32
  }
  func.func @transform_3(%arg0: i32, %arg1: i32) -> (i32, i32) {
    %c0_i32 = arith.constant 0 : i32
    %c0_i32_0 = arith.constant 0 : i32
    return %arg1, %c0_i32 : i32, i32
  }
  func.func @transform_4(%arg0: i32, %arg1: i32) -> (i32, i32) {
    %c0_i32 = arith.constant 0 : i32
    %c0_i32_0 = arith.constant 0 : i32
    %c0_i32_1 = arith.constant 0 : i32
    return %c0_i32, %c0_i32_0 : i32, i32
  }
  func.func @transform_5(%arg0: i32, %arg1: i32) -> (i32, i32) {
    %c0_i32 = arith.constant 0 : i32
    return %arg0, %arg1 : i32, i32
  }
  func.func @transform_6(%arg0: i32, %arg1: i32) -> (i32, i32) {
    %c0_i32 = arith.constant 0 : i32
    %c0_i32_0 = arith.constant 0 : i32
    return %arg0, %c0_i32 : i32, i32
  }
}

</mosaic_0001>

<sc_bundles>
// kernel: kernel.5.cloned.1.call-start
scs
__scs_entry_jumppad:
0x0: {  	(pc) =	sbr.rel $0x88, $3  }
0x1: {  	(tag) =	ssettag $0x0;
	lr =	simm.s32 $0x1  }
0x2: {  	[smem:$0x3F99] =	sst lr;
	_ =	strace $0xD0000000  }
0x3: {  	_ = 	snop  }
0x4: {  	_ = 	snop  }
0x5: {  	_ = 	snop  }
0x6: {  	_ = 	snop  }
0x7: {  	_ = 	snop  }
__scs_overlays_trampoline_lowered:
0x8: {  	[smem:$0x3FA8] =	sst s0  }
0x9: {  	[smem:$0x3FA9] =	sst s1  }
0xa: {  	[smem:$0x3FAA] =	sst s2  }
0xb: {  	[smem:$0x3FAB] =	sst s3  }
0xc: {  	[smem:$0x3FAC] =	sst s4  }
0xd: {  	[smem:$0x3FAD] =	sst s5  }
0xe: {  	[smem:$0x3FAE] =	sst s6  }
0xf: {  	[smem:$0x3FAF] =	sst s7  }
0x10: {  	[smem:$0x3FB0] =	sst s8  }
0x11: {  	[smem:$0x3FB1] =	sst s9;
	s0 =	simm.s32 @!p0 $0x0  }
0x12: {  	s1 =	sld [smem:$0x3F97];
	s0 =	simm.s32 @p0 $0x1  }
0x13: {  	[smem:$0x3FB2] =	sst s0;
	s0 =	simm.s32 @!p1 $0x0  }
0x14: {  	s2 =	sld [smem:$0x3F96];
	s0 =	simm.s32 @p1 $0x1  }
0x15: {  	[smem:$0x3FB3] =	sst s0;
	s0 =	simm.s32 @!p2 $0x0  }
0x16: {  	s3 =	sld [smem:$0x3FDB];
	s0 =	simm.s32 @p2 $0x1  }
0x17: {  	s4 =	simm.s32 $0x1BF5;
	[smem:$0x3FB5] =	sst s0  }
0x18: {  	s0 =	sld [smem:$0x3F98];
	_ =	swait.ge [sflag:s4], $0x0  }
0x19: {  	s7 =	sld [smem:$0x3F99]  }
0x1a: {  	s8 =	sadd.s32 $0xFFFFE003, lr  }
0x1b: {  	s9 =	sadd.s32 $0xFFFFFEF7, lr;
	s5 =	simm.s32 $0xFFFFFFFF;
	p2 =	slt.u32 s8, $0xFFFFF086  }
0x1c: {  	p1 =	slt.u32 s9, $0xF7A;
	s5 =	simm.s32 @!p2 $0x0  }
0x1d: {  	s5 =	simm.s32 @p1 $0x1;
	p0 =	seq.s32 s7, s2  }
0x1e: {  	s7 =	smul.u32 @!p0 $0xF7A, s2;
	p2 =	seq.s32 @!p0 s5, $0x0  }
0x1f: {  	s9 =	smul.u32 $0xF7A, s1;
	s8 =	simm.s32 @!p0 $0x1BF5;
	p2 =	por !p2, p0  }
0x20: {  	[sflag:s8] =	ssyncset.s32 @!p0 $0xFFFFF086;
	s6 =	sadd.s32 @!p0 s3, s7;
	s7 =	simm.s32 @!p0 $0x108  }
0x21: {  	s3 =	sadd.s32 s3, s9;
	s6 =	sadd.s32 @!p0 $0x88, s6;
	s7 =	simm.s32 @p2 $0x1082  }
0x22: {  	[simem:s7], [sflag:s8] =	dma.local @!p0 [hbm:s6], $0xF7A  }
0x23: {  	s9 =	sor.u32 $0xD0000000, s2;
	s6 =	simm.s32 $0x108;
	_ =	swait.ge @!p0 [sflag:s8], $0x0  }
0x24: {  	s3 =	sadd.s32 $0x88, s3;
	s6 =	simm.s32 @!p1 $0x1082;
	[sflag:s4] =	ssyncset.s32 $0xFFFFF086  }
0x25: {  	[simem:s6], [sflag:s4] =	dma.local [hbm:s3], $0xF7A  }
0x26: {  	[smem:$0x3F99] =	sst s1;
	(tag) =	ssettag s2;
	_ =	strace s9  }
0x27: {  	s1 =	sld [smem:$0x3FA9]  }
0x28: {  	s2 =	sld [smem:$0x3FAA]  }
0x29: {  	s4 =	sld [smem:$0x3FAC]  }
0x2a: {  	p0 =	seq.s32 s5, $0x0;
	s5 =	sld [smem:$0x3FAD]  }
0x2b: {  	s6 =	sld [smem:$0x3FAE]  }
0x2c: {  	s7 =	sld [smem:$0x3FAF]  }
0x2d: {  	s3 =	simm.s32 $0x108;
	s8 =	sld [smem:$0x3FB0]  }
0x2e: {  	s3 =	simm.s32 @!p0 $0x1082;
	s9 =	sld [smem:$0x3FB1]  }
0x2f: {  	lr =	sadd.s32 s0, s3;
	s0 =	sld [smem:$0x3FA8]  }
0x30: {  	s3 =	sld [smem:$0x3FAB]  }
0x31: {  	[smem:$0x3FB4] =	sst s10  }
0x32: {  	s10 =	sld [smem:$0x3FB2];
	_ =	sdelay $0x3  }
0x33: {  	p0 =	seq.s32 s10, $0x1;
	s10 =	sld [smem:$0x3FB4];
	_ =	sdelay $0x3  }
0x34: {  	[smem:$0x3FB4] =	sst s10  }
0x35: {  	s10 =	sld [smem:$0x3FB3];
	_ =	sdelay $0x3  }
0x36: {  	p1 =	seq.s32 s10, $0x1;
	s10 =	sld [smem:$0x3FB4];
	_ =	sdelay $0x3  }
0x37: {  	[smem:$0x3FB4] =	sst s10  }
0x38: {  	s10 =	sld [smem:$0x3FB5]  }
0x39: {  	_ = 	snop;
	(pc) =	sbr.ind lr, $3  }
0x3a: {  	_ = 	snop  }
0x3b: {  	_ = 	snop  }
0x3c: {  	p2 =	seq.s32 s10, $0x1;
	s10 =	sld [smem:$0x3FB4]  }
0x3d: {  	_ =	shalt  }
0x3e: {  	_ =	shalt  }
0x3f: {  	_ =	shalt  }
0x40: {  	_ =	shalt  }
0x41: {  	_ =	shalt  }
0x42: {  	_ =	shalt  }
0x43: {  	_ =	shalt  }
0x44: {  	_ =	shalt  }
0x45: {  	_ =	shalt  }
0x46: {  	_ =	shalt  }
0x47: {  	_ =	shalt  }
0x48: {  	_ =	shalt  }
0x49: {  	_ =	shalt  }
0x4a: {  	_ =	shalt  }
0x4b: {  	_ =	shalt  }
0x4c: {  	_ =	shalt  }
0x4d: {  	_ =	shalt  }
0x4e: {  	_ =	shalt  }
0x4f: {  	_ =	shalt  }
0x50: {  	_ =	shalt  }
0x51: {  	_ =	shalt  }
0x52: {  	_ =	shalt  }
0x53: {  	_ =	shalt  }
0x54: {  	_ =	shalt  }
0x55: {  	_ =	shalt  }
0x56: {  	_ =	shalt  }
0x57: {  	_ =	shalt  }
0x58: {  	_ =	shalt  }
0x59: {  	_ =	shalt  }
0x5a: {  	_ =	shalt  }
0x5b: {  	_ =	shalt  }
0x5c: {  	_ =	shalt  }
0x5d: {  	_ =	shalt  }
0x5e: {  	_ =	shalt  }
0x5f: {  	_ =	shalt  }
0x60: {  	_ =	shalt  }
0x61: {  	_ =	shalt  }
0x62: {  	_ =	shalt  }
0x63: {  	_ =	shalt  }
0x64: {  	_ =	shalt  }
0x65: {  	_ =	shalt  }
0x66: {  	_ =	shalt  }
0x67: {  	_ =	shalt  }
0x68: {  	_ =	shalt  }
0x69: {  	_ =	shalt  }
0x6a: {  	_ =	shalt  }
0x6b: {  	_ =	shalt  }
0x6c: {  	_ =	shalt  }
0x6d: {  	_ =	shalt  }
0x6e: {  	_ =	shalt  }
0x6f: {  	_ =	shalt  }
0x70: {  	_ =	shalt  }
0x71: {  	_ =	shalt  }
0x72: {  	_ =	shalt  }
0x73: {  	_ =	shalt  }
0x74: {  	_ =	shalt  }
0x75: {  	_ =	shalt  }
0x76: {  	_ =	shalt  }
0x77: {  	_ =	shalt  }
0x78: {  	_ =	shalt  }
0x79: {  	_ =	shalt  }
0x7a: {  	_ =	shalt  }
0x7b: {  	_ =	shalt  }
0x7c: {  	_ =	shalt  }
0x7d: {  	_ =	shalt  }
0x7e: {  	_ =	shalt  }
0x7f: {  	_ =	shalt  }
0x80: {  	_ =	shalt  }
0x81: {  	_ =	shalt  }
0x82: {  	_ =	shalt  }
0x83: {  	_ =	shalt  }
0x84: {  	_ =	shalt  }
0x85: {  	_ =	shalt  }
0x86: {  	_ =	shalt  }
0x87: {  	_ =	shalt  }
.Lfunc_end0:
.L_simem_size_0:
called_computation_lowered:
.L_overlay_start_0:
0x88: {  	s2 =	sld [smem:$0x3FD9]  }
0x89: {  	s3 =	sld [smem:$0x3FFE];
	_ =	sdelay $0x1  }
0x8a: {  	s1 =	srdreg.scid  }
0x8b: {  	s0 =	sand.u32 $0x1, s1  }
0x8c: {  	s14 =	sshll.u32 s0, $0xA;
	s2 =	sadd.s32 s3, s2  }
0x8d: {  	s2 =	sadd.s32 s2, s14  }
0x8e: {  	[smem:$0x3FC0] =	sst s2  }
0x8f: {  	_ = 	snop  }
0x90: {  	s2 =	sld [smem:$0x3FD0];
	_ =	sdelay $0x2  }
0x91: {  	s15 =	simm.s32 $0xA;
	s4 =	simm.s32 $0x10  }
0x92: {  	[smem:s4], [sflag:s15] =	dma.local [hbm:s2], $0x1  }
0x93: {  	_ =	swait.eq [sflag:s15], $0x1  }
0x94: {  	[sflag:s15] =	ssyncset.done $0x0  }
0x95: {  	s16 =	sld [smem:$0x10];
	[sflag:s15] =	ssyncadd.s32 $0xFFFFFFFF  }
0x96: {  	s17 =	sld [smem:$0x11];
	(tm) =	ssettm $0x1  }
0x97: {  	s18 =	sld [smem:$0x3FFB];
	_ =	sdelay $0x3  }
0x98: {  	_ =	strace s18  }
0x99: {  	s4 =	sld [smem:$0x3FFC];
	_ =	sdelay $0x3  }
0x9a: {  	_ =	strace s4  }
0x9b: {  	s4 =	sld [smem:$0x3FFD];
	_ =	sdelay $0x3  }
0x9c: {  	_ =	strace s4  }
0x9d: {  	_ =	strace $0x8FFFFFFF  }
0x9e: {  	s19 =	sld [smem:$0x3FDB];
	_ =	sdelay $0x1  }
0x9f: {  	s5 =	simm.s32 $_scs_section_size  }
0xa0: {  	s6 =	simm.s32 $_size__tile_overlayer_lowered;
	s7 =	simm.s32 $_tile_overlayer_lowered  }
0xa1: {  	s22 =	simm.s32 $0x1BFF;
	s21 =	sshll.u32 s7, $0x1;
	s4 =	sadd.s32 s5, s19  }
0xa2: {  	s8 =	simm.s32 $0x0;
	s20 =	sshll.u32 s6, $0x1;
	s6 =	sadd.s32 s21, s4  }
0xa3: {  	[timem:s8], [sflag:s22] =	dma.local [hbm:s6], s20  }
0xa4: {  	_ =	swait.ge [sflag:s22], s20  }
0xa5: {  	s5 =	ssub.s32 $0x0, s20;
	[sflag:s22] =	ssyncset.done $0x0  }
0xa6: {  	[sflag:s22] =	ssyncadd.s32 s5;
	_ =	sdelay $0x1  }
0xa7: {  	s23 =	simm.s32 $0x1B8B  }
0xa8: {  	_ =	swait.ge [sflag:s23], $0x1  }
0xa9: {  	[sflag:s23] =	ssyncset.done $0x0  }
0xaa: {  	s25 =	simm.s32 $0x1B8E;
	s24 =	sld [smem:$0x3FFE];
	[sflag:s23] =	ssyncadd.s32 $0xFFFFFFFF  }
0xab: {  	s26 =	simm.s32 $execute0_lowered;
	[smem:$0x3FD2] =	sst s25  }
0xac: {  	s6 =	sshll.u32 s26, $0x1;
	_ =	strace $0x80000046;
	[dreg:$0x1] =	wrdreg $0xFFFFFFFF  }
0xad: {  	s28 =	simm.s32 $_size_execute0_lowered;
	s4 =	sadd.s32 s4, s6;
	[dreg:$0x0] =	wrdreg $0x0  }
0xae: {  	s6 =	sshll.u32 s28, $0x1;
	[dreg:$0x2] =	wrdreg s4  }
0xaf: {  	[dreg:$0x3] =	wrdreg s6  }
0xb0: {  	[dreg:$0x4] =	wrdreg $0xC0  }
0xb1: {  	_ =	task [dreg:s8], $0x5FFFF  }
0xb2: {  	[dreg:$0x1] =	wrdreg $0xFFFFFFFF  }
0xb3: {  	[dreg:$0x0] =	wrdreg $0x60  }
0xb4: {  	[dreg:$0x2] =	wrdreg s24  }
0xb5: {  	[dreg:$0x3] =	wrdreg s17  }
0xb6: {  	[dreg:$0x4] =	wrdreg s16  }
0xb7: {  	[dreg:$0x5] =	wrdreg $0x12C200  }
0xb8: {  	[dreg:$0x6] =	wrdreg $0x12EA00  }
0xb9: {  	[dreg:$0x7] =	wrdreg $0x9  }
0xba: {  	_ =	task.clear_ibuf [dreg:s8], $0x8FFFF;
	_ =	strace $0x90000046  }
0xbb: {  	s29 =	simm.s32 $0x9;
	_ =	strace $0x80000048  }
0xbc: {  	_ =	swait.ge [sflag:s29], $0x1  }
0xbd: {  	[sflag:s29] =	ssyncadd.s32 $0xFFFFFFFF  }
0xbe: {  	_ =	strace $0x90000048  }
0xbf: {  	_ =	sfence  }
0xc0: {  	s30 =	sld [smem:$0x0];
	_ =	sdelay $0x2  }
0xc1: {  	s31 =	sshll.u32 s1, $0xD;
	s1 =	sshrl.u32 s1, $0x2  }
0xc2: {  	s3 =	sand.u32 $0x4000, s31;
	s1 =	sadd.s32 s1, s30  }
0xc3: {  	s0 =	sor.u32 s3, s0;
	s1 =	sshll.u32 s1, $0x11  }
0xc4: {  	s0 =	sor.u32 s1, s0  }
0xc5: {  	s0 =	sadd.s32 $0x8F2B, s0  }
0xc6: {  	[sflag:s0] =	ssyncadd.remote.s32 $0x1  }
0xc7: {  	_ =	sfence.sel $0xFFFF  }
0xc8: {  	[dreg:$0x0] =	wrdreg $0xFFFFFFFF;
	(pc) =	sbr.abs _section_cstart, $3  }
0xc9: {  	[dreg:$0x1] =	wrdreg $0xFFFFFFFF  }
0xca: {  	_ =	task.clear_ibuf [dreg:s8], $0x2FFFF;
	_ =	strace $0x9FFFFFFF  }
0xcb: {  	(tm) =	ssettm $0x7FFFFFFF  }
tec
execute0_lowered:
.L_overlay_start_1:
0x0: {  	(tag) =	ssettag $0x1  }
0x1: {  	s0 =	rddreg [dreg:$0x0]  }
0x2: {  	s1 =	rddreg [dreg:$0x1]  }
0x3: {  	s6 =	rddreg [dreg:$0x2]  }
0x4: {  	s2 =	rddreg [dreg:$0x3]  }
0x5: {  	s3 =	rddreg [dreg:$0x4]  }
0x6: {  	s4 =	simm.s32 $0x0;
	s22 =	srdreg.scid;
	s20 =	stileid.u32  }
0x7: {  	s17 =	simm.s32 $0x2;
	s18 =	simm.s32 $0x2800;
	s28 =	simm.s32 $0x5000  }
0x8: {  	s29 =	simm.s32 $0x7800;
	s30 =	simm.s32 $0x1;
	s31 =	simm.s32 $0x0  }
0x9: {  	[smem:$0x7FF] =	sst s4;
	s5 =	sadd.s32 $0xB600, s0;
	s7 =	sadd.s32 $0x1400, s0  }
0xa: {  	s8 =	sadd.s32 $0x800, s0;
	s21 =	sadd.s32 $0xE00, s0;
	s23 =	smul.u32 $0xA00, s20  }
0xb: {  	s9 =	sadd.s32 $0x600, s0;
	s11 =	sadd.s32 $0x15800, s0;
	s13 =	smul.u32 $0xA000, s20  }
0xc: {  	s12 =	sadd.s32 $0x15A00, s0;
	_ =	strace $0x80000047;
	[dreg:$0x6] =	wrdreg s8  }
0xd: {  	s26 =	sshll.u32 s20, $0x6;
	[dreg:$0x7] =	wrdreg s21;
	s8 =	sand.u32 $0x1, s22  }
0xe: {  	[dreg:$0x8] =	wrdreg s9;
	s10 =	ssub.s32 $0x2, s8;
	s14 =	smul.u32 $0xA0000, s8  }
0xf: {  	s8 =	sshll.u32 s8, $0x4;
	s9 =	sshrl.u32 s23, $0x2;
	s19 =	sadd.s32 s13, s3  }
0x10: {  	s23 =	simm.s32 $0x12400;
	s24 =	sshrl.u32 s10, $0x1;
	s8 =	sor.u32 s20, s8  }
.Ltmp0:
0x11: {  	s9 =	sadd.s32 s9, s2;
	s22 =	sshrl.u32 s19, $0x3;
	(pc) =	sbr.rel .LBB2_1-.Ltmp0, $4  }
0x12: {  	s0 =	ssub.s32 s10, s24;
	s25 =	sadd.s32 s13, s14;
	s13 =	smul.u32 $0x50A0, s20  }
0x13: {  	s14 =	smul.u32 $0x2850, s8;
	s20 =	sor.u32 $0x1C02, s26;
	s21 =	sshrl.u32 s9, $0x3  }
0x14: {  	v0 =	vimm.f32 $0.0e+00;
	v1 =	vlaneseq.u32;
	s24 =	simm.s32 $0x126B0;
	s26 =	simm.s32 $0x12960;
	s10 =	sshrl.u32 s25, $0x3  }
0x15: {  	v2 =	vor.u32 $0x10, v1;
	v3 =	vor.u32 $0x20, v1;
	v4 =	vor.u32 $0x30, v1;
	s16 =	smax.u32 s0, $0x1;
	s25 =	simm.s32 $0x2B0;
	s15 =	sadd.s32 s6, s10  }
.LBB2_13:
0x16: {  	s31 =	sadd.s32 $0x1, s31  }
0x17: {  	p0 =	sne.s32 s31, s16  }
.Ltmp1:
0x18: {  	[bflag:$0x0] =	sbarrier.arrive $0xFFFF;
	(pc) =	sbr.rel @!p0 .LBB2_14-.Ltmp1, $4  }
0x19: {  	[hbm:s15], [sflag:s20] =	dma.local [spmem:s22], $0x1400  }
0x1a: {  	_ =	swait.ge [sflag:s17], $0x1400  }
0x1b: {  	[sflag:s17] =	ssyncset.done $0x0  }
0x1c: {  	[sflag:s17] =	ssyncadd.s32 $0xFFFFEC00  }
.LBB2_1:
0x1d: {  	s0 =	rddreg [dreg:$0x6]  }
0x1e: {  	[tilespmem:s4], [sflag:$0x2] =	stream.linear.gather [hbm4b:s0+s4], $0x2710, $0x38;
	[tilespmem:$0x1CEA0] =	vst v63  }
0x1f: {  	_ =	swait.ge [sflag:s17], $0x2710  }
0x20: {  	[sflag:s17] =	ssyncset.done $0x0  }
0x21: {  	s10 =	rddreg [dreg:$0x7];
	[sflag:s17] =	ssyncadd.s32 $0xFFFFD8F0  }
0x22: {  	[tilespmem:s18], [sflag:$0x2] =	stream.linear.gather [hbm4b:s10+s4], $0x2710, $0x38;
	[tilespmem:$0x1CEA0] =	vst v63  }
0x23: {  	_ =	swait.ge [sflag:s17], $0x2710  }
0x24: {  	[sflag:s17] =	ssyncset.done $0x0  }
0x25: {  	s6 =	simm.s32 $0x12C10;
	s19 =	rddreg [dreg:$0x8];
	[sflag:s17] =	ssyncadd.s32 $0xFFFFD8F0  }
0x26: {  	[tilespmem:s6], [sflag:$0x2] =	stream.linear.gather [hbm4b:s19+s4], $0x10, $0x38;
	[tilespmem:$0x1CEA0] =	vst v63  }
0x27: {  	_ =	swait.ge [sflag:s17], $0x10  }
0x28: {  	[sflag:s17] =	ssyncset.done $0x0  }
0x29: {  	[sflag:s17] =	ssyncadd.s32 $0xFFFFFFF0  }
0x2a: {  	[tilespmem:$0x4F10] =	vst v0  }
0x2b: {  	[spmem:s21], [sflag:s20] =	dma.local [hbm:s11], $0x50  }
0x2c: {  	_ =	swait.ge [sflag:s17], $0x50  }
0x2d: {  	[sflag:s17] =	ssyncset.done $0x0  }
0x2e: {  	[sflag:s17] =	ssyncadd.s32 $0xFFFFFFB0  }
0x2f: {  	[spmem:s22], [sflag:s20] =	dma.local [hbm:s12], $0x1400  }
0x30: {  	_ =	swait.ge [sflag:s17], $0x1400  }
0x31: {  	[sflag:s17] =	ssyncset.done $0x0  }
0x32: {  	[sflag:s17] =	ssyncadd.s32 $0xFFFFEC00  }
0x33: {  	[bflag:$0x0] =	sbarrier.arrive $0xFFFF  }
0x34: {  	s0 =	simm.s32 $0x0;
	v5 =	vld [tilespmem:$0x12C10]  }
.LBB2_2:
0x35: {  	s6 =	smul.u32 $0x2B0, s0;
	_ =	sdelay $0x1  }
0x36: {  	s6 =	sadd.s32 s13, s6  }
0x37: {  	s6 =	sshrl.u32 s6, $0x3  }
0x38: {  	s9 =	simm.s32 $0x0;
	s8 =	sadd.s32 s5, s6  }
0x39: {  	[tilespmem:s23], [sflag:$0x2] =	stream.linear.gather [hbm4b:s8+s9], $0x2B0, $0x38;
	[tilespmem:$0x1CEA0] =	vst v63  }
0x3a: {  	_ =	swait.ge [sflag:s17], $0x2B0  }
0x3b: {  	[sflag:s17] =	ssyncset.done $0x0  }
0x3c: {  	s6 =	sadd.s32 s7, s6;
	[sflag:s17] =	ssyncadd.s32 $0xFFFFFD50  }
0x3d: {  	[tilespmem:s24], [sflag:$0x2] =	stream.linear.gather [hbm4b:s6+s9], $0x2B0, $0x38;
	[tilespmem:$0x1CEA0] =	vst v63  }
0x3e: {  	_ =	swait.ge [sflag:s17], $0x2B0  }
0x3f: {  	[sflag:s17] =	ssyncset.done $0x0  }
0x40: {  	s6 =	simm.s32 $0x0;
	[sflag:s17] =	ssyncadd.s32 $0xFFFFFD50  }
0x41: {  	v6 =	vld [tilespmem:s6+$0x126B0]  }
0x42: {  	v7 =	vld [tilespmem:s6+$0x12400];
	_ =	sdelay $0x6  }
0x43: {  	v6 =	vld.idx.msk [tilespmem:v6+s18+$0x0], $0xffff  }
0x44: {  	v7 =	vld.idx.msk [tilespmem:v7+s4+$0x0], $0xffff;
	_ =	sdelay $0x4  }
0x45: {  	v6 =	vadd.f32 v6, v7;
	_ =	sdelay $0x1  }
0x46: {  	v7 =	vmul.f32 $2.000000030e-01, v6  }
0x47: {  	vm0 =	vge.f32 v6, $0.0e+00  }
0x48: {  	v6 =	vsel vm0, v6, v7  }
0x49: {  	v6 =	vsub.f32 v6, v5;
	_ =	sdelay $0x1  }
0x4a: {  	v6 =	vmul.f32 $1.442695020e+00, v6;
	_ =	sdelay $0x1  }
0x4b: {  	(erf) = vpow2.f32 v6;
	_ =	sdelay $0x1  }
0x4c: {  	s9 =	simm.s32 $0x10  }
0x4d: {  	s8 =	simm.s32 $0x80;
	v6 =	vld [tilespmem:s9+$0x126B0]  }
.LBB2_3:
0x4e: {  	p0 =	sne.s32 s8, $0xA80;
	v7 =	vld [tilespmem:s9+$0x12400];
	_ =	sdelay $0x4  }
0x4f: {  	v8 =	vpop (erf)  }
0x50: {  	[tilespmem:s6+$0x12960] =	vst v8;
	s6 =	smov.u32 s9  }
0x51: {  	v6 =	vld.idx.msk [tilespmem:v6+s18+$0x0], $0xffff  }
0x52: {  	v7 =	vld.idx.msk [tilespmem:v7+s4+$0x0], $0xffff;
	_ =	sdelay $0x5  }
0x53: {  	v6 =	vadd.f32 v6, v7;
	_ =	sdelay $0x1  }
0x54: {  	v7 =	vmul.f32 $2.000000030e-01, v6  }
0x55: {  	vm0 =	vge.f32 v6, $0.0e+00  }
0x56: {  	v6 =	vsel vm0, v6, v7  }
0x57: {  	v6 =	vsub.f32 v6, v5;
	_ =	sdelay $0x1  }
0x58: {  	v6 =	vmul.f32 $1.442695020e+00, v6  }
.Ltmp2:
0x59: {  	(pc) =	sbr.rel @p0 .LBB2_3-.Ltmp2, $3  }
0x5a: {  	(erf) = vpow2.f32 v6;
	_ =	sdelay $0x1  }
0x5b: {  	s9 =	sshra.s32 s8, $0x2  }
0x5c: {  	s8 =	sadd.s32 $0x40, s8;
	v6 =	vld [tilespmem:s9+$0x126B0]  }
0x5d: {  	_ = 	snop  }
0x5e: {  	v7 =	vld [tilespmem:s9+$0x12400];
	_ =	sdelay $0x4  }
0x5f: {  	v8 =	vpop (erf)  }
0x60: {  	[tilespmem:s6+$0x12960] =	vst v8  }
0x61: {  	v6 =	vld.idx.msk [tilespmem:v6+s18+$0x0], $0xffff  }
0x62: {  	v7 =	vld.idx.msk [tilespmem:v7+s4+$0x0], $0xffff;
	_ =	sdelay $0x4  }
0x63: {  	v6 =	vadd.f32 v6, v7;
	_ =	sdelay $0x1  }
0x64: {  	v7 =	vmul.f32 $2.000000030e-01, v6  }
0x65: {  	vm0 =	vge.f32 v6, $0.0e+00  }
0x66: {  	v6 =	vsel vm0, v6, v7  }
0x67: {  	v6 =	vsub.f32 v6, v5;
	_ =	sdelay $0x1  }
0x68: {  	v6 =	vmul.f32 $1.442695020e+00, v6;
	_ =	sdelay $0x1  }
0x69: {  	(erf) = vpow2.f32 v6;
	_ =	sdelay $0x7  }
0x6a: {  	s0 =	sadd.s32 $0x1, s0  }
0x6b: {  	p0 =	sne.s32 s0, $0x1E;
	v6 =	vpop (erf)  }
.Ltmp3:
0x6c: {  	[tilespmem:s9+$0x12960] =	vst v6;
	(pc) =	sbr.rel @p0 .LBB2_2-.Ltmp3, $4  }
0x6d: {  	[spmem:s2] =	stream.indirect.scatter.add.f32 [tilespmem:s26], [sflag:$0x2], $0x1, s24, s25, $0xb8;
	[tilespmem:$0x1CEA0] =	vst v63  }
0x6e: {  	_ =	swait.ge [sflag:s17], $0x2B0  }
0x6f: {  	[sflag:s17] =	ssyncset.done $0x0  }
0x70: {  	[sflag:s17] =	ssyncadd.s32 $0xFFFFFD50  }
0x71: {  	[bflag:$0x0] =	sbarrier.arrive $0xFFFF  }
0x72: {  	[tilespmem:s28], [sflag:$0x2] =	stream.linear.gather [spmem:s2], $0x2800, $0x38;
	[tilespmem:$0x1CEA0] =	vst v63  }
0x73: {  	_ =	swait.ge [sflag:s17], $0x2800  }
0x74: {  	[sflag:s17] =	ssyncset.done $0x0  }
0x75: {  	s0 =	simm.s32 $0x0;
	s6 =	simm.s32 $0x0;
	[sflag:s17] =	ssyncadd.s32 $0xFFFFD800  }
.LBB2_6:
0x76: {  	s8 =	smul.u32 $0x2B0, s6;
	_ =	sdelay $0x1  }
0x77: {  	s8 =	sadd.s32 s14, s8  }
0x78: {  	s8 =	sshrl.u32 s8, $0x3  }
0x79: {  	s9 =	sadd.s32 s5, s8  }
0x7a: {  	[tilespmem:s23], [sflag:$0x2] =	stream.linear.gather [hbm4b:s9+s0], $0x2B0, $0x38;
	[tilespmem:$0x1CEA0] =	vst v63  }
0x7b: {  	_ =	swait.ge [sflag:s17], $0x2B0  }
0x7c: {  	[sflag:s17] =	ssyncset.done $0x0  }
0x7d: {  	s8 =	sadd.s32 s7, s8;
	[sflag:s17] =	ssyncadd.s32 $0xFFFFFD50  }
0x7e: {  	[tilespmem:s24], [sflag:$0x2] =	stream.linear.gather [hbm4b:s8+s0], $0x2B0, $0x38;
	[tilespmem:$0x1CEA0] =	vst v63  }
0x7f: {  	_ =	swait.ge [sflag:s17], $0x2B0  }
0x80: {  	[sflag:s17] =	ssyncset.done $0x0  }
0x81: {  	[sflag:s17] =	ssyncadd.s32 $0xFFFFFD50  }
0x82: {  	[tilespmem:s29], [sflag:$0x1] =	stream.indirect.gather [hbm4b:s1+s25], $0x40, s23, s25, $0xb8;
	[tilespmem:$0x1CEA0] =	vst v63  }
0x83: {  	_ =	swait.ge [sflag:s30], $0xAC00  }
0x84: {  	[sflag:s30] =	ssyncset.done $0x0  }
0x85: {  	s19 =	simm.s32 $0x0;
	[sflag:s30] =	ssyncadd.s32 $0xFFFF5400  }
0x86: {  	v6 =	vld [tilespmem:s19+$0x126B0]  }
0x87: {  	v7 =	vld [tilespmem:s19+$0x12400];
	_ =	sdelay $0x6  }
0x88: {  	v8 =	vld.idx.msk [tilespmem:v6+s18+$0x0], $0xffff  }
0x89: {  	v7 =	vld.idx.msk [tilespmem:v7+s0+$0x0], $0xffff;
	_ =	sdelay $0x4  }
0x8a: {  	v7 =	vadd.f32 v8, v7  }
0x8b: {  	v6 =	vld.idx.msk [tilespmem:v6+s28+$0x0], $0xffff  }
0x8c: {  	v8 =	vmul.f32 $2.000000030e-01, v7  }
0x8d: {  	vm0 =	vge.f32 v7, $0.0e+00  }
0x8e: {  	v7 =	vsel vm0, v7, v8  }
0x8f: {  	v7 =	vsub.f32 v7, v5  }
0x90: {  	v6 =	vadd.f32 $1.000000020e-16, v6  }
0x91: {  	v7 =	vmul.f32 $1.442695020e+00, v7  }
0x92: {  	(erf) = vrcp.f32 v6  }
0x93: {  	(erf) = vpow2.f32 v7;
	_ =	sdelay $0x3  }
0x94: {  	s10 =	simm.s32 $0x10  }
0x95: {  	s9 =	simm.s32 $0x80;
	v6 =	vld [tilespmem:s10+$0x126B0]  }
.LBB2_7:
0x96: {  	p0 =	sne.s32 s9, $0xA80;
	v7 =	vld [tilespmem:s10+$0x12400];
	_ =	sdelay $0x1  }
0x97: {  	v8 =	vpop (erf)  }
0x98: {  	v9 =	vpop (erf)  }
0x99: {  	v8 =	vmul.f32 v9, v8;
	_ =	sdelay $0x1  }
0x9a: {  	[tilespmem:s19+$0x12960] =	vst v8;
	s19 =	smov.u32 s10  }
0x9b: {  	s8 =	simm.s32 $0x0;
	v8 =	vld.idx.msk [tilespmem:v6+s18+$0x0], $0xffff  }
0x9c: {  	v7 =	vld.idx.msk [tilespmem:v7+s8+$0x0], $0xffff;
	_ =	sdelay $0x5  }
0x9d: {  	v7 =	vadd.f32 v8, v7;
	v6 =	vld.idx.msk [tilespmem:v6+s28+$0x0], $0xffff;
	_ =	sdelay $0x1  }
0x9e: {  	v8 =	vmul.f32 $2.000000030e-01, v7  }
0x9f: {  	vm0 =	vge.f32 v7, $0.0e+00  }
0xa0: {  	v7 =	vsel vm0, v7, v8  }
0xa1: {  	v7 =	vsub.f32 v7, v5  }
0xa2: {  	v6 =	vadd.f32 $1.000000020e-16, v6  }
0xa3: {  	v7 =	vmul.f32 $1.442695020e+00, v7  }
0xa4: {  	(erf) = vrcp.f32 v6  }
0xa5: {  	(erf) = vpow2.f32 v7  }
.Ltmp4:
0xa6: {  	(pc) =	sbr.rel @p0 .LBB2_7-.Ltmp4, $3  }
0xa7: {  	_ =	sdelay $0x1  }
0xa8: {  	s10 =	sshra.s32 s9, $0x2  }
0xa9: {  	s9 =	sadd.s32 $0x40, s9;
	v6 =	vld [tilespmem:s10+$0x126B0]  }
0xaa: {  	_ = 	snop  }
0xab: {  	v7 =	vld [tilespmem:s10+$0x12400];
	_ =	sdelay $0x1  }
0xac: {  	v8 =	vpop (erf)  }
0xad: {  	v9 =	vpop (erf)  }
0xae: {  	v8 =	vmul.f32 v9, v8;
	_ =	sdelay $0x1  }
0xaf: {  	[tilespmem:s19+$0x12960] =	vst v8  }
0xb0: {  	v8 =	vld.idx.msk [tilespmem:v6+s18+$0x0], $0xffff  }
0xb1: {  	v7 =	vld.idx.msk [tilespmem:v7+s8+$0x0], $0xffff;
	_ =	sdelay $0x4  }
0xb2: {  	v7 =	vadd.f32 v8, v7  }
0xb3: {  	v6 =	vld.idx.msk [tilespmem:v6+s28+$0x0], $0xffff  }
0xb4: {  	v8 =	vmul.f32 $2.000000030e-01, v7  }
0xb5: {  	vm0 =	vge.f32 v7, $0.0e+00  }
0xb6: {  	v7 =	vsel vm0, v7, v8  }
0xb7: {  	v7 =	vsub.f32 v7, v5  }
0xb8: {  	v6 =	vadd.f32 $1.000000020e-16, v6  }
0xb9: {  	v7 =	vmul.f32 $1.442695020e+00, v7  }
0xba: {  	(erf) = vrcp.f32 v6  }
0xbb: {  	(erf) = vpow2.f32 v7;
	_ =	sdelay $0x6  }
0xbc: {  	p1 =	por $0x1, $0x1  }
.Ltmp5:
0xbd: {  	v6 =	vpop (erf);
	(pc) =	sbr.rel @!p1 .LBB2_9-.Ltmp5, $4  }
0xbe: {  	v7 =	vpop (erf)  }
0xbf: {  	v8 =	vmov s8;
	v7 =	vmul.f32 v7, v6  }
0xc0: {  	v6 =	vshll.u32 v8, $0x6  }
0xc1: {  	p0 =	por $0x0, $0x0;
	s8 =	simm.s32 $0x1;
	[tilespmem:s10+$0x12960] =	vst v7;
	v7 =	vor.u32 v1, v6  }
0xc2: {  	_ =	sdelay $0x3  }
0xc3: {  	v10 =	vld.idx.msk [tilespmem:v8+s26+$0x0], $0xffff  }
0xc4: {  	v8 =	vld.idx.msk [tilespmem:v7+s29+$0x0], $0xffff;
	_ =	sdelay $0x2  }
0xc5: {  	v9 =	vor.u32 v2, v6;
	_ =	sdelay $0x1  }
0xc6: {  	v8 =	vmul.f32 v8, v10;
	_ =	sdelay $0x1  }
0xc7: {  	[tilespmem:v7+s29+$0x0] =	vst.idx.msk $0xffff, v8  }
0xc8: {  	v7 =	vld.idx.msk [tilespmem:v9+s29+$0x0], $0xffff;
	_ =	sdelay $0x2  }
0xc9: {  	v8 =	vor.u32 v3, v6;
	_ =	sdelay $0x1  }
0xca: {  	v7 =	vmul.f32 v7, v10;
	_ =	sdelay $0x1  }
0xcb: {  	[tilespmem:v9+s29+$0x0] =	vst.idx.msk $0xffff, v7  }
0xcc: {  	v7 =	vld.idx.msk [tilespmem:v8+s29+$0x0], $0xffff;
	_ =	sdelay $0x2  }
0xcd: {  	v9 =	vor.u32 v4, v6;
	_ =	sdelay $0x1  }
0xce: {  	v6 =	vmul.f32 v7, v10;
	_ =	sdelay $0x1  }
0xcf: {  	[tilespmem:v8+s29+$0x0] =	vst.idx.msk $0xffff, v6  }
0xd0: {  	p1 =	por $0x1, $0x1;
	v11 =	vld.idx.msk [tilespmem:v9+s29+$0x0], $0xffff  }
.Ltmp6:
0xd1: {  	_ = 	snop;
	(pc) =	sbr.rel @!p1 .LBB2_12-.Ltmp6, $4  }
0xd2: {  	v8 =	vmov s8  }
0xd3: {  	v6 =	vshll.u32 v8, $0x6  }
0xd4: {  	v7 =	vor.u32 v1, v6  }
0xd5: {  	s19 =	simm.s32 $0x2;
	p0 =	por $0x1, $0x1;
	v10 =	vmul.f32 v11, v10  }
.LBB2_11:
0xd6: {  	_ = 	snop  }
0xd7: {  	p1 =	sne.s32 s19, $0x2AF;
	s8 =	smov.u32 s19;
	s19 =	sadd.s32 $0x1, s19;
	[tilespmem:v9+s29+$0x0] =	vst.idx.msk $0xffff, v10  }
0xd8: {  	v10 =	vld.idx.msk [tilespmem:v8+s26+$0x0], $0xffff  }
0xd9: {  	v8 =	vld.idx.msk [tilespmem:v7+s29+$0x0], $0xffff;
	_ =	sdelay $0x3  }
0xda: {  	v9 =	vor.u32 v2, v6;
	_ =	sdelay $0x1  }
0xdb: {  	v8 =	vmul.f32 v8, v10;
	_ =	sdelay $0x1  }
0xdc: {  	[tilespmem:v7+s29+$0x0] =	vst.idx.msk $0xffff, v8  }
0xdd: {  	v7 =	vld.idx.msk [tilespmem:v9+s29+$0x0], $0xffff;
	_ =	sdelay $0x3  }
0xde: {  	v8 =	vor.u32 v3, v6;
	_ =	sdelay $0x1  }
0xdf: {  	v7 =	vmul.f32 v7, v10;
	_ =	sdelay $0x1  }
0xe0: {  	[tilespmem:v9+s29+$0x0] =	vst.idx.msk $0xffff, v7  }
0xe1: {  	v7 =	vld.idx.msk [tilespmem:v8+s29+$0x0], $0xffff;
	_ =	sdelay $0x3  }
0xe2: {  	v9 =	vor.u32 v4, v6;
	_ =	sdelay $0x1  }
0xe3: {  	v6 =	vmul.f32 v7, v10;
	_ =	sdelay $0x1  }
0xe4: {  	[tilespmem:v8+s29+$0x0] =	vst.idx.msk $0xffff, v6  }
0xe5: {  	v11 =	vld.idx.msk [tilespmem:v9+s29+$0x0], $0xffff;
	_ =	sdelay $0x1  }
.Ltmp7:
0xe6: {  	(pc) =	sbr.rel @p1 .LBB2_11-.Ltmp7, $4  }
0xe7: {  	v8 =	vmov s8  }
0xe8: {  	v6 =	vshll.u32 v8, $0x6  }
0xe9: {  	v7 =	vor.u32 v1, v6  }
0xea: {  	v10 =	vmul.f32 v11, v10  }
.LBB2_12:
0xeb: {  	_ =	sdelay $0x3  }
0xec: {  	[tilespmem:v9+s29+$0x0] =	vst.idx.msk @p0 $0xffff, v10  }
0xed: {  	v8 =	vld.idx.msk [tilespmem:v8+s26+$0x0], $0xffff  }
0xee: {  	v9 =	vld.idx.msk [tilespmem:v7+s29+$0x0], $0xffff;
	_ =	sdelay $0x2  }
0xef: {  	v62 =	vor.u32 v2, v6;
	_ =	sdelay $0x1  }
0xf0: {  	v9 =	vmul.f32 v9, v8;
	_ =	sdelay $0x1  }
0xf1: {  	[tilespmem:v7+s29+$0x0] =	vst.idx.msk $0xffff, v9  }
0xf2: {  	v7 =	vld.idx.msk [tilespmem:v62+s29+$0x0], $0xffff;
	_ =	sdelay $0x2  }
0xf3: {  	v63 =	vor.u32 v3, v6;
	_ =	sdelay $0x1  }
0xf4: {  	v7 =	vmul.f32 v7, v8;
	_ =	sdelay $0x1  }
0xf5: {  	[tilespmem:v62+s29+$0x0] =	vst.idx.msk $0xffff, v7  }
0xf6: {  	v7 =	vld.idx.msk [tilespmem:v63+s29+$0x0], $0xffff;
	_ =	sdelay $0x2  }
0xf7: {  	v6 =	vor.u32 v4, v6;
	_ =	sdelay $0x1  }
0xf8: {  	v7 =	vmul.f32 v7, v8;
	_ =	sdelay $0x1  }
0xf9: {  	[tilespmem:v63+s29+$0x0] =	vst.idx.msk $0xffff, v7  }
0xfa: {  	v7 =	vld.idx.msk [tilespmem:v6+s29+$0x0], $0xffff;
	_ =	sdelay $0x4  }
0xfb: {  	v7 =	vmul.f32 v7, v8  }
0xfc: {  	s6 =	sadd.s32 $0x1, s6  }
0xfd: {  	p0 =	sne.s32 s6, $0xF;
	[tilespmem:v6+s29+$0x0] =	vst.idx.msk $0xffff, v7  }
0xfe: {  	[spmem:s3] =	stream.indirect.scatter.add.f32 [tilespmem:s29], [sflag:$0x2], $0x40, s24, s25, $0xb8;
	[tilespmem:$0x1CEA0] =	vst v63  }
.Ltmp8:
0xff: {  	_ = 	snop;
	(pc) =	sbr.rel @p0 .LBB2_6-.Ltmp8, $4  }
.Ltmp9:
0x100: {  	_ = 	snop;
	(pc) =	sbr.rel @!p0 .LBB2_13-.Ltmp9, $4  }
0x101: {  	_ =	swait.ge [sflag:s17], $0xAC00  }
0x102: {  	[sflag:s17] =	ssyncset.done $0x0  }
0x103: {  	[sflag:s17] =	ssyncadd.s32 $0xFFFF5400  }
0x104: {  	_ = 	snop  }
.LBB2_9:
.Ltmp10:
0x105: {  	(pc) =	sbr.rel .LBB2_12-.Ltmp10, $2  }
0x106: {  	_ =	sdelay $0x2  }
0x107: {  	_ = 	snop  }
.LBB2_14:
0x108: {  	_ =	sfence.sel $0x180000  }
0x109: {  	[bflag:$0x0] =	sbarrier.arrive $0xFFFF  }
0x10a: {  	_ =	strace $0x90000047  }
0x10b: {  	s0 =	stileid.u32;
	[bflag:$0x2] =	sbarrier.arrive $0xFFFF  }
0x10c: {  	p0 =	sne.s32 s0, $0x0;
	s0 =	rddreg [dreg:$0x5]  }
0x10d: {  	s0 =	sadd.s32 @!p0 $0x100000, s0  }
0x10e: {  	[sflag:s0] =	ssyncadd.tile.s32 @!p0 $0x1;
	_ =	shalt  }
.Lfunc_end2:
_tile_overlayer_lowered:
.L_overlay_start_2:
0x10f: {  	(tag) =	ssettag $0x2  }
0x110: {  	s0 =	rddreg [dreg:$0x0];
	s2 =	stileid.u32  }
0x111: {  	s1 =	rddreg [dreg:$0x1];
	p0 =	sne.s32 s2, $0x0  }
0x112: {  	s3 =	rddreg [dreg:$0x2];
	[bflag:$0x3] =	sbarrier.arrive $0xFFFF;
	s2 =	simm.s32 @!p0 $0x1C02  }
0x113: {  	[timem:s3], [sflag:s2] =	dma.local @!p0 [hbm:s0], s1  }
0x114: {  	s0 =	simm.s32 @!p0 $0x2  }
0x115: {  	_ =	swait.ge @!p0 [sflag:s0], s1  }
0x116: {  	s1 =	ssub.s32 @!p0 $0x0, s1;
	[sflag:s0] =	ssyncset.done @!p0 $0x0  }
0x117: {  	[sflag:s0] =	ssyncadd.s32 @!p0 s1  }
0x118: {  	[bflag:$0x3] =	sbarrier.arrive $0xFFFF  }
0x119: {  	_ =	shalt  }

</sc_bundles>
